<compile_context>
chip_gen: v7x
topology: tpu7x:2x2x1
jax: 0.10.2.dev20260603
libtpu: 0.0.44.dev20260713+nightly
codegen_flags: <defaults>
</compile_context>

<pallas_src>
import jax
import jax.numpy as jnp
from jax import lax
from jax.experimental import pallas as pl
from jax.experimental.pallas import tpu as pltpu
from jax.experimental.pallas import tpu_sc as plsc

_CONF = 0.01
_NMS = 0.45
_V0 = 0.1
_V1 = 0.2
_K = 200
_NEG = -1e30

_NP = 20480
_NB1 = _NP // 16
_NB2 = _NP // 256
_SELW = 208
_OUTW = 256


def _decode_kernel(locT_ref, scores_ref, priorsT_ref, md_ref, lv_ref):
    p0 = priorsT_ref[0][None, :]
    p1 = priorsT_ref[1][None, :]
    p2 = priorsT_ref[2][None, :]
    p3 = priorsT_ref[3][None, :]
    l0 = locT_ref[0]
    l1 = locT_ref[1]
    l2 = locT_ref[2]
    l3 = locT_ref[3]
    cx = p0 + l0 * _V0 * p2
    cy = p1 + l1 * _V0 * p3
    w = p2 * jnp.exp(l2 * _V1)
    h = p3 * jnp.exp(l3 * _V1)
    x0 = cx - w / 2.0
    y0 = cy - h / 2.0
    x1 = x0 + w
    y1 = y0 + h
    B, N = x0.shape
    md_ref[:, 1 * _NP:1 * _NP + N] = x0
    md_ref[:, 2 * _NP:2 * _NP + N] = y0
    md_ref[:, 3 * _NP:3 * _NP + N] = x1
    md_ref[:, 4 * _NP:4 * _NP + N] = y1
    for c in range(1, 5):
        md_ref[:, c * _NP + N:(c + 1) * _NP] = jnp.zeros((B, _NP - N), jnp.float32)
    s = scores_ref[...]
    md_ref[:, :N] = jnp.where(s > _CONF, s, _NEG)
    md_ref[:, N:_NP] = jnp.full((B, _NP - N), _NEG, jnp.float32)
    mfull = md_ref[:, :_NP]
    lvl1 = jnp.max(mfull.reshape(B, _NB1, 16), axis=2)
    lv_ref[:, :_NB1] = lvl1
    lv_ref[:, _NB1:] = jnp.max(lvl1.reshape(B, _NB2, 16), axis=2)


def _sc_nms_kernel(md_hbm, lv_hbm, out_hbm, md_v, lv_v, sel_v, out_v, acc_v):
    B = md_hbm.shape[0]
    wid = lax.axis_index("s") * 2 + lax.axis_index("c")

    @pl.when(wid < B)
    def _():
        b = wid
        pltpu.sync_copy(md_hbm.at[b], md_v)
        pltpu.sync_copy(lv_hbm.at[b], lv_v)

        z16 = jnp.zeros((16,), jnp.float32)
        for i in range(5 * _OUTW // 16):
            out_v[pl.ds(i * 16, 16)] = z16
        for i in range(5 * _SELW // 16):
            sel_v[pl.ds(i * 16, 16)] = z16

        iota16 = lax.iota(jnp.int32, 16)

        def cond(carry):
            count, going = carry
            return (count < _K) & going

        def body(carry):
            count, _ = carry
            v0 = lv_v[pl.ds(_NB1 + 0, 16)]
            v1 = lv_v[pl.ds(_NB1 + 16, 16)]
            v2 = lv_v[pl.ds(_NB1 + 32, 16)]
            v3 = lv_v[pl.ds(_NB1 + 48, 16)]
            v4 = lv_v[pl.ds(_NB1 + 64, 16)]
            mm = jnp.maximum(jnp.maximum(jnp.maximum(v0, v1),
                                         jnp.maximum(v2, v3)), v4)
            gmax = jnp.max(mm)
            going = gmax > _CONF
            gvec = jnp.full((16,), gmax)

            blk = jnp.int32(9999)
            for k, vk in enumerate((v0, v1, v2, v3, v4)):
                f0 = plsc.all_reduce_ffs(vk == gvec)[0]
                blk = jnp.minimum(blk, jnp.where(f0 < 16, k * 16 + f0, 9999))

            chunk16 = lv_v[pl.ds(blk * 16, 16)]
            j = plsc.all_reduce_ffs(chunk16 == gvec)[0]
            rowstart = blk * 256 + j * 16
            row = md_v[pl.ds(rowstart, 16)]
            lane = plsc.all_reduce_ffs(row == gvec)[0]
            idx = rowstart + lane

            idxv = jnp.full((16,), idx)
            lane4 = iota16 < 4
            coord = jnp.where(lane4, iota16, 0)
            g = plsc.load_gather(md_v, [(coord + 1) * _NP + idxv], mask=lane4)
            cx0v = jnp.full((16,), g[0])
            cy0v = jnp.full((16,), g[1])
            cx1v = jnp.full((16,), g[2])
            cy1v = jnp.full((16,), g[3])
            cav = jnp.maximum(cx1v - cx0v, 0.0) * jnp.maximum(cy1v - cy0v, 0.0)

            @pl.when(going)
            def _():
                lane0 = iota16 == 0
                plsc.store_scatter(md_v, [idxv], jnp.full((16,), _NEG, jnp.float32),
                                   mask=lane0)
                nrow = jnp.where(iota16 == lane, jnp.float32(_NEG), row)
                rmax = jnp.full((16,), jnp.max(nrow))
                plsc.store_scatter(lv_v, [jnp.full((16,), blk * 16 + j)],
                                   rmax, mask=lane0)
                nchunk = jnp.where(iota16 == j, rmax, chunk16)
                plsc.store_scatter(lv_v, [jnp.full((16,), _NB1 + blk)],
                                   jnp.full((16,), jnp.max(nchunk)), mask=lane0)

            def iou_rows(rows):
                ious = []
                for jj in rows:
                    sx0 = sel_v[pl.ds(0 * _SELW + jj * 16, 16)]
                    sy0 = sel_v[pl.ds(1 * _SELW + jj * 16, 16)]
                    sx1 = sel_v[pl.ds(2 * _SELW + jj * 16, 16)]
                    sy1 = sel_v[pl.ds(3 * _SELW + jj * 16, 16)]
                    sar = sel_v[pl.ds(4 * _SELW + jj * 16, 16)]
                    iw = jnp.maximum(jnp.minimum(cx1v, sx1) - jnp.maximum(cx0v, sx0), 0.0)
                    ih = jnp.maximum(jnp.minimum(cy1v, sy1) - jnp.maximum(cy0v, sy0), 0.0)
                    inter = iw * ih
                    ious.append(inter / (cav + sar - inter + 1e-12))
                while len(ious) > 1:
                    ious = [jnp.maximum(a, b) for a, b in zip(ious[::2], ious[1::2])] \
                        + ([ious[-1]] if len(ious) % 2 else [])
                return ious[0]

            acc_v[pl.ds(0, 16)] = iou_rows(range(4))
            for g, rows in enumerate((range(4, 7), range(7, 10), range(10, 13))):
                @pl.when(count > rows[0] * 16)
                def _(rows=rows):
                    acc_v[pl.ds(0, 16)] = jnp.maximum(acc_v[pl.ds(0, 16)],
                                                      iou_rows(rows))
            rejected = jnp.max(acc_v[pl.ds(0, 16)]) > _NMS
            do_acc = going & jnp.logical_not(rejected)

            @pl.when(do_acc)
            def _():
                selval = jnp.where(iota16 == 0, cx0v,
                         jnp.where(iota16 == 1, cy0v,
                         jnp.where(iota16 == 2, cx1v,
                         jnp.where(iota16 == 3, cy1v, cav))))
                outval = jnp.where(iota16 == 0, gvec,
                         jnp.where(iota16 == 1, cx0v,
                         jnp.where(iota16 == 2, cy0v,
                         jnp.where(iota16 == 3, cx1v, cy1v))))
                lane5 = iota16 < 5
                lidx = jnp.where(lane5, iota16, 0)
                plsc.store_scatter(sel_v, [lidx * _SELW + count], selval, mask=lane5)
                plsc.store_scatter(out_v, [lidx * _OUTW + count], outval, mask=lane5)

            return (jnp.where(do_acc, count + 1, count), going)

        lax.while_loop(cond, body, (jnp.int32(0), jnp.bool_(True)))
        pltpu.sync_copy(out_v, out_hbm.at[b])


def kernel(loc_data, conf_data, priors):
    B, N, _ = loc_data.shape
    locT = jnp.transpose(loc_data, (2, 0, 1))
    scores = conf_data[:, :, 1]
    priorsT = jnp.transpose(priors, (1, 0))

    md, lv = pl.pallas_call(
        _decode_kernel,
        out_shape=[
            jax.ShapeDtypeStruct((B, 5 * _NP), jnp.float32),
            jax.ShapeDtypeStruct((B, _NB1 + _NB2), jnp.float32),
        ],
    )(locT, scores, priorsT)

    sc = pl.kernel(
        _sc_nms_kernel,
        out_type=jax.ShapeDtypeStruct((B, 5 * _OUTW), jnp.float32),
        mesh=plsc.VectorSubcoreMesh(core_axis_name="c", subcore_axis_name="s"),
        compiler_params=pltpu.CompilerParams(needs_layout_passes=False),
        scratch_types=[
            pltpu.VMEM((5 * _NP,), jnp.float32),
            pltpu.VMEM((_NB1 + _NB2,), jnp.float32),
            pltpu.VMEM((5 * _SELW,), jnp.float32),
            pltpu.VMEM((5 * _OUTW,), jnp.float32),
            pltpu.VMEM((16,), jnp.float32),
        ],
    )
    out_flat = sc(md, lv)

    fields = out_flat.reshape(B, 5, _OUTW)[:, :, :_K]
    cls1 = jnp.transpose(fields, (0, 2, 1))
    cls0 = jnp.zeros_like(cls1)
    return jnp.stack([cls0, cls1], axis=1)

# --- scband reference (transcript-rebuilt; emitter-appended) ---
"""Pipeline reference for scband-detection-output-43310450213512 (READ-ONLY COPY).

The authoritative reference and input builder live on the scoring server;
editing this copy changes nothing except your own understanding.
"""

import jax, jax.numpy as jnp
import numpy as np

CONF_THRESHOLD = 0.01
NMS_THRESHOLD = 0.45
VARIANCES = (0.1, 0.2)
TOPK = 200


def setup_inputs(seed: int = 0):
    key = jax.random.key(seed)
    k1, k2, k3 = jax.random.split(key, 3)
    loc_data = jax.random.normal(k1, (8, 20000, 4), dtype=jnp.float32)
    conf_data = jax.random.uniform(k2, (8, 20000, 2), dtype=jnp.float32)
    priors = jax.random.uniform(k3, (20000, 4), dtype=jnp.float32)
    return {"loc_data": loc_data, "conf_data": conf_data, "priors": priors}


def _decode(loc, priors):
    # standard SSD decode: priors in center-size form
    centers = priors[:, :2] + loc[:, :2] * VARIANCES[0] * priors[:, 2:]
    sizes = priors[:, 2:] * jnp.exp(loc[:, 2:] * VARIANCES[1])
    mins = centers - sizes / 2.0
    maxs = mins + sizes
    return jnp.concatenate([mins, maxs], axis=1)


def _detect_image(loc, conf, priors):
    boxes = _decode(loc, priors)
    scores = conf[:, 1]
    neg = jnp.float32(-1e30)
    masked = jnp.where(scores > CONF_THRESHOLD, scores, neg)
    areas = jnp.maximum(boxes[:, 2] - boxes[:, 0], 0.0) * jnp.maximum(boxes[:, 3] - boxes[:, 1], 0.0)

    def step(m, _):
        idx = jnp.argmax(m)
        sel_score = m[idx]
        valid = sel_score > CONF_THRESHOLD
        sel_box = boxes[idx]
        lt = jnp.maximum(sel_box[:2], boxes[:, :2])
        rb = jnp.minimum(sel_box[2:], boxes[:, 2:])
        wh = jnp.maximum(rb - lt, 0.0)
        inter = wh[:, 0] * wh[:, 1]
        sel_area = jnp.maximum(sel_box[2] - sel_box[0], 0.0) * jnp.maximum(sel_box[3] - sel_box[1], 0.0)
        iou = inter / (sel_area + areas - inter + 1e-12)
        new_m = jnp.where(iou > NMS_THRESHOLD, neg, m)
        new_m = new_m.at[idx].set(neg)
        new_m = jnp.where(valid, new_m, m)
        return new_m, (idx, valid)

    _, (idxs, valids) = jax.lax.scan(step, masked, None, length=TOPK)
    sel_scores = jnp.where(valids, scores[idxs], 0.0)
    sel_boxes = jnp.where(valids[:, None], boxes[idxs], 0.0)
    cls1 = jnp.concatenate([sel_scores[:, None], sel_boxes], axis=1)  # [topk, 5]
    cls0 = jnp.zeros_like(cls1)  # background class row stays zero
    return jnp.stack([cls0, cls1], axis=0)  # [2, topk, 5]


def reference(loc_data, conf_data, priors):
    # output: [batch, num_classes=2, topk, 5] = (score, xmin, ymin, xmax, ymax)
    # NOTE: the final flat-sort/fill_(0) block in the torch code mutates a copy
    # (advanced indexing returns a new tensor), so it is a no-op on `output`.
    return jax.vmap(_detect_image, in_axes=(0, 0, None))(loc_data, conf_data, priors)

if __name__ == "__main__":
    import jax
    _d = setup_inputs()
    print(jax.jit(kernel)(*tuple(_d.values())))

</pallas_src>

<mosaic_0001>
#map = affine_map<(d0, d1) -> (0, 0)>
module attributes {stable_mosaic.version = 14 : i64} {
  func.func @_sc_nms_kernel(%arg0: i32, %arg1: i32, %arg2: memref<8x102400xf32, #tpu.memory_space<hbm>>, %arg3: memref<8x1360xf32, #tpu.memory_space<hbm>>, %arg4: memref<8x1280xf32, #tpu.memory_space<hbm>>, %arg5: memref<102400xf32, #tpu.memory_space<vmem>>, %arg6: memref<1360xf32, #tpu.memory_space<vmem>>, %arg7: memref<1040xf32, #tpu.memory_space<vmem>>, %arg8: memref<1280xf32, #tpu.memory_space<vmem>>, %arg9: memref<16xf32, #tpu.memory_space<vmem>>) attributes {dimension_semantics = [#tpu.dimension_semantics<core_parallel>, #tpu.dimension_semantics<subcore_parallel>], iteration_bounds = array<i64: 2, 16>, scalar_prefetch = 0 : i64, scratch_operands = 5 : i64, tpu.core_type = #tpu.core_type<sc_vector_subcore>, window_params = [{transform_indices = #map}, {transform_indices = #map}, {transform_indices = #map}]} {
    %mul3A = arith.constant 2 : i32
    %mul3A_0 = arith.muli %arg1, %mul3A : i32
    %add3A = arith.addi %mul3A_0, %arg0 : i32
    %lt3A = arith.constant 8 : i32
    %lt3A_1 = arith.cmpi slt, %add3A, %lt3A : i32
    %convert_element_type3A = arith.extui %lt3A_1 : i1 to i32
    %cond3A = arith.constant 0 : i32
    %cond3A_2 = arith.cmpi ne, %convert_element_type3A, %cond3A : i32
    scf.if %cond3A_2 {
      "tpu.region"() ({
        %run_scoped3A = tpu.sem_alloc : memref<!tpu.dma_semaphore, #tpu.memory_space<semaphore_mem>>
        %dma_start3A = arith.constant 0 : i32
        %dma_start3A_295 = tpu.memref_slice %arg2[%add3A, %dma_start3A] : memref<8x102400xf32, #tpu.memory_space<hbm>> -> memref<1x102400xf32, #tpu.memory_space<hbm>>
        %dma_start3A_296 = tpu.memref_squeeze %dma_start3A_295 : memref<1x102400xf32, #tpu.memory_space<hbm>> -> memref<102400xf32, #tpu.memory_space<hbm>>
        %dma_start3A_297 = arith.constant 0 : i32
        %dma_start3A_298 = tpu.memref_slice %arg2[%add3A, %dma_start3A_297] : memref<8x102400xf32, #tpu.memory_space<hbm>> -> memref<1x102400xf32, #tpu.memory_space<hbm>>
        %dma_start3A_299 = tpu.memref_squeeze %dma_start3A_298 : memref<1x102400xf32, #tpu.memory_space<hbm>> -> memref<102400xf32, #tpu.memory_space<hbm>>
        tpu.enqueue_dma source(%dma_start3A_299 : memref<102400xf32, #tpu.memory_space<hbm>>) target(%arg5 : memref<102400xf32, #tpu.memory_space<vmem>>) target_semaphore(%run_scoped3A : memref<!tpu.dma_semaphore, #tpu.memory_space<semaphore_mem>>)
        %dma_wait3A = arith.constant 0 : i32
        %dma_wait3A_300 = tpu.memref_slice %arg2[%add3A, %dma_wait3A] : memref<8x102400xf32, #tpu.memory_space<hbm>> -> memref<1x102400xf32, #tpu.memory_space<hbm>>
        %dma_wait3A_301 = tpu.memref_squeeze %dma_wait3A_300 : memref<1x102400xf32, #tpu.memory_space<hbm>> -> memref<102400xf32, #tpu.memory_space<hbm>>
        %dma_wait3A_302 = arith.constant 0 : i32
        %dma_wait3A_303 = tpu.memref_slice %arg2[%add3A, %dma_wait3A_302] : memref<8x102400xf32, #tpu.memory_space<hbm>> -> memref<1x102400xf32, #tpu.memory_space<hbm>>
        %dma_wait3A_304 = tpu.memref_squeeze %dma_wait3A_303 : memref<1x102400xf32, #tpu.memory_space<hbm>> -> memref<102400xf32, #tpu.memory_space<hbm>>
        tpu.wait_dma2 semaphore(%run_scoped3A : memref<!tpu.dma_semaphore, #tpu.memory_space<semaphore_mem>>) src(%dma_wait3A_304 : memref<102400xf32, #tpu.memory_space<hbm>>) dst(%arg5 : memref<102400xf32, #tpu.memory_space<vmem>>)
        tpu.yield
      }) : () -> ()
      "tpu.region"() ({
        %run_scoped3A = tpu.sem_alloc : memref<!tpu.dma_semaphore, #tpu.memory_space<semaphore_mem>>
        %dma_start3A = arith.constant 0 : i32
        %dma_start3A_295 = tpu.memref_slice %arg3[%add3A, %dma_start3A] : memref<8x1360xf32, #tpu.memory_space<hbm>> -> memref<1x1360xf32, #tpu.memory_space<hbm>>
        %dma_start3A_296 = tpu.memref_squeeze %dma_start3A_295 : memref<1x1360xf32, #tpu.memory_space<hbm>> -> memref<1360xf32, #tpu.memory_space<hbm>>
        %dma_start3A_297 = arith.constant 0 : i32
        %dma_start3A_298 = tpu.memref_slice %arg3[%add3A, %dma_start3A_297] : memref<8x1360xf32, #tpu.memory_space<hbm>> -> memref<1x1360xf32, #tpu.memory_space<hbm>>
        %dma_start3A_299 = tpu.memref_squeeze %dma_start3A_298 : memref<1x1360xf32, #tpu.memory_space<hbm>> -> memref<1360xf32, #tpu.memory_space<hbm>>
        tpu.enqueue_dma source(%dma_start3A_299 : memref<1360xf32, #tpu.memory_space<hbm>>) target(%arg6 : memref<1360xf32, #tpu.memory_space<vmem>>) target_semaphore(%run_scoped3A : memref<!tpu.dma_semaphore, #tpu.memory_space<semaphore_mem>>)
        %dma_wait3A = arith.constant 0 : i32
        %dma_wait3A_300 = tpu.memref_slice %arg3[%add3A, %dma_wait3A] : memref<8x1360xf32, #tpu.memory_space<hbm>> -> memref<1x1360xf32, #tpu.memory_space<hbm>>
        %dma_wait3A_301 = tpu.memref_squeeze %dma_wait3A_300 : memref<1x1360xf32, #tpu.memory_space<hbm>> -> memref<1360xf32, #tpu.memory_space<hbm>>
        %dma_wait3A_302 = arith.constant 0 : i32
        %dma_wait3A_303 = tpu.memref_slice %arg3[%add3A, %dma_wait3A_302] : memref<8x1360xf32, #tpu.memory_space<hbm>> -> memref<1x1360xf32, #tpu.memory_space<hbm>>
        %dma_wait3A_304 = tpu.memref_squeeze %dma_wait3A_303 : memref<1x1360xf32, #tpu.memory_space<hbm>> -> memref<1360xf32, #tpu.memory_space<hbm>>
        tpu.wait_dma2 semaphore(%run_scoped3A : memref<!tpu.dma_semaphore, #tpu.memory_space<semaphore_mem>>) src(%dma_wait3A_304 : memref<1360xf32, #tpu.memory_space<hbm>>) dst(%arg6 : memref<1360xf32, #tpu.memory_space<vmem>>)
        tpu.yield
      }) : () -> ()
      %broadcast_in_dim3A = arith.constant 0.000000e+00 : f32
      %broadcast_in_dim3A_3 = vector.broadcast %broadcast_in_dim3A : f32 to vector<16xf32>
      %swap3A = arith.constant 0 : index
      %swap3A_4 = tpu.vector_load %arg8[%swap3A] {strides = array<i32>} : memref<1280xf32, #tpu.memory_space<vmem>>, vector<16xf32>,
      tpu.vector_store %arg8[%swap3A], %broadcast_in_dim3A_3 {strides = array<i32>} : memref<1280xf32, #tpu.memory_space<vmem>>, vector<16xf32>,
      %swap3A_5 = arith.constant 16 : index
      %swap3A_6 = tpu.vector_load %arg8[%swap3A_5] {strides = array<i32>} : memref<1280xf32, #tpu.memory_space<vmem>>, vector<16xf32>,
      tpu.vector_store %arg8[%swap3A_5], %broadcast_in_dim3A_3 {strides = array<i32>} : memref<1280xf32, #tpu.memory_space<vmem>>, vector<16xf32>,
      %swap3A_7 = arith.constant 32 : index
      %swap3A_8 = tpu.vector_load %arg8[%swap3A_7] {strides = array<i32>} : memref<1280xf32, #tpu.memory_space<vmem>>, vector<16xf32>,
      tpu.vector_store %arg8[%swap3A_7], %broadcast_in_dim3A_3 {strides = array<i32>} : memref<1280xf32, #tpu.memory_space<vmem>>, vector<16xf32>,
      %swap3A_9 = arith.constant 48 : index
      %swap3A_10 = tpu.vector_load %arg8[%swap3A_9] {strides = array<i32>} : memref<1280xf32, #tpu.memory_space<vmem>>, vector<16xf32>,
      tpu.vector_store %arg8[%swap3A_9], %broadcast_in_dim3A_3 {strides = array<i32>} : memref<1280xf32, #tpu.memory_space<vmem>>, vector<16xf32>,
      %swap3A_11 = arith.constant 64 : index
      %swap3A_12 = tpu.vector_load %arg8[%swap3A_11] {strides = array<i32>} : memref<1280xf32, #tpu.memory_space<vmem>>, vector<16xf32>,
      tpu.vector_store %arg8[%swap3A_11], %broadcast_in_dim3A_3 {strides = array<i32>} : memref<1280xf32, #tpu.memory_space<vmem>>, vector<16xf32>,
      %swap3A_13 = arith.constant 80 : index
      %swap3A_14 = tpu.vector_load %arg8[%swap3A_13] {strides = array<i32>} : memref<1280xf32, #tpu.memory_space<vmem>>, vector<16xf32>,
      tpu.vector_store %arg8[%swap3A_13], %broadcast_in_dim3A_3 {strides = array<i32>} : memref<1280xf32, #tpu.memory_space<vmem>>, vector<16xf32>,
      %swap3A_15 = arith.constant 96 : index
      %swap3A_16 = tpu.vector_load %arg8[%swap3A_15] {strides = array<i32>} : memref<1280xf32, #tpu.memory_space<vmem>>, vector<16xf32>,
      tpu.vector_store %arg8[%swap3A_15], %broadcast_in_dim3A_3 {strides = array<i32>} : memref<1280xf32, #tpu.memory_space<vmem>>, vector<16xf32>,
      %swap3A_17 = arith.constant 112 : index
      %swap3A_18 = tpu.vector_load %arg8[%swap3A_17] {strides = array<i32>} : memref<1280xf32, #tpu.memory_space<vmem>>, vector<16xf32>,
      tpu.vector_store %arg8[%swap3A_17], %broadcast_in_dim3A_3 {strides = array<i32>} : memref<1280xf32, #tpu.memory_space<vmem>>, vector<16xf32>,
      %swap3A_19 = arith.constant 128 : index
      %swap3A_20 = tpu.vector_load %arg8[%swap3A_19] {strides = array<i32>} : memref<1280xf32, #tpu.memory_space<vmem>>, vector<16xf32>,
      tpu.vector_store %arg8[%swap3A_19], %broadcast_in_dim3A_3 {strides = array<i32>} : memref<1280xf32, #tpu.memory_space<vmem>>, vector<16xf32>,
      %swap3A_21 = arith.constant 144 : index
      %swap3A_22 = tpu.vector_load %arg8[%swap3A_21] {strides = array<i32>} : memref<1280xf32, #tpu.memory_space<vmem>>, vector<16xf32>,
      tpu.vector_store %arg8[%swap3A_21], %broadcast_in_dim3A_3 {strides = array<i32>} : memref<1280xf32, #tpu.memory_space<vmem>>, vector<16xf32>,
      %swap3A_23 = arith.constant 160 : index
      %swap3A_24 = tpu.vector_load %arg8[%swap3A_23] {strides = array<i32>} : memref<1280xf32, #tpu.memory_space<vmem>>, vector<16xf32>,
      tpu.vector_store %arg8[%swap3A_23], %broadcast_in_dim3A_3 {strides = array<i32>} : memref<1280xf32, #tpu.memory_space<vmem>>, vector<16xf32>,
      %swap3A_25 = arith.constant 176 : index
      %swap3A_26 = tpu.vector_load %arg8[%swap3A_25] {strides = array<i32>} : memref<1280xf32, #tpu.memory_space<vmem>>, vector<16xf32>,
      tpu.vector_store %arg8[%swap3A_25], %broadcast_in_dim3A_3 {strides = array<i32>} : memref<1280xf32, #tpu.memory_space<vmem>>, vector<16xf32>,
      %swap3A_27 = arith.constant 192 : index
      %swap3A_28 = tpu.vector_load %arg8[%swap3A_27] {strides = array<i32>} : memref<1280xf32, #tpu.memory_space<vmem>>, vector<16xf32>,
      tpu.vector_store %arg8[%swap3A_27], %broadcast_in_dim3A_3 {strides = array<i32>} : memref<1280xf32, #tpu.memory_space<vmem>>, vector<16xf32>,
      %swap3A_29 = arith.constant 208 : index
      %swap3A_30 = tpu.vector_load %arg8[%swap3A_29] {strides = array<i32>} : memref<1280xf32, #tpu.memory_space<vmem>>, vector<16xf32>,
      tpu.vector_store %arg8[%swap3A_29], %broadcast_in_dim3A_3 {strides = array<i32>} : memref<1280xf32, #tpu.memory_space<vmem>>, vector<16xf32>,
      %swap3A_31 = arith.constant 224 : index
      %swap3A_32 = tpu.vector_load %arg8[%swap3A_31] {strides = array<i32>} : memref<1280xf32, #tpu.memory_space<vmem>>, vector<16xf32>,
      tpu.vector_store %arg8[%swap3A_31], %broadcast_in_dim3A_3 {strides = array<i32>} : memref<1280xf32, #tpu.memory_space<vmem>>, vector<16xf32>,
      %swap3A_33 = arith.constant 240 : index
      %swap3A_34 = tpu.vector_load %arg8[%swap3A_33] {strides = array<i32>} : memref<1280xf32, #tpu.memory_space<vmem>>, vector<16xf32>,
      tpu.vector_store %arg8[%swap3A_33], %broadcast_in_dim3A_3 {strides = array<i32>} : memref<1280xf32, #tpu.memory_space<vmem>>, vector<16xf32>,
      %swap3A_35 = arith.constant 256 : index
      %swap3A_36 = tpu.vector_load %arg8[%swap3A_35] {strides = array<i32>} : memref<1280xf32, #tpu.memory_space<vmem>>, vector<16xf32>,
      tpu.vector_store %arg8[%swap3A_35], %broadcast_in_dim3A_3 {strides = array<i32>} : memref<1280xf32, #tpu.memory_space<vmem>>, vector<16xf32>,
      %swap3A_37 = arith.constant 272 : index
      %swap3A_38 = tpu.vector_load %arg8[%swap3A_37] {strides = array<i32>} : memref<1280xf32, #tpu.memory_space<vmem>>, vector<16xf32>,
      tpu.vector_store %arg8[%swap3A_37], %broadcast_in_dim3A_3 {strides = array<i32>} : memref<1280xf32, #tpu.memory_space<vmem>>, vector<16xf32>,
      %swap3A_39 = arith.constant 288 : index
      %swap3A_40 = tpu.vector_load %arg8[%swap3A_39] {strides = array<i32>} : memref<1280xf32, #tpu.memory_space<vmem>>, vector<16xf32>,
      tpu.vector_store %arg8[%swap3A_39], %broadcast_in_dim3A_3 {strides = array<i32>} : memref<1280xf32, #tpu.memory_space<vmem>>, vector<16xf32>,
      %swap3A_41 = arith.constant 304 : index
      %swap3A_42 = tpu.vector_load %arg8[%swap3A_41] {strides = array<i32>} : memref<1280xf32, #tpu.memory_space<vmem>>, vector<16xf32>,
      tpu.vector_store %arg8[%swap3A_41], %broadcast_in_dim3A_3 {strides = array<i32>} : memref<1280xf32, #tpu.memory_space<vmem>>, vector<16xf32>,
      %swap3A_43 = arith.constant 320 : index
      %swap3A_44 = tpu.vector_load %arg8[%swap3A_43] {strides = array<i32>} : memref<1280xf32, #tpu.memory_space<vmem>>, vector<16xf32>,
      tpu.vector_store %arg8[%swap3A_43], %broadcast_in_dim3A_3 {strides = array<i32>} : memref<1280xf32, #tpu.memory_space<vmem>>, vector<16xf32>,
      %swap3A_45 = arith.constant 336 : index
      %swap3A_46 = tpu.vector_load %arg8[%swap3A_45] {strides = array<i32>} : memref<1280xf32, #tpu.memory_space<vmem>>, vector<16xf32>,
      tpu.vector_store %arg8[%swap3A_45], %broadcast_in_dim3A_3 {strides = array<i32>} : memref<1280xf32, #tpu.memory_space<vmem>>, vector<16xf32>,
      %swap3A_47 = arith.constant 352 : index
      %swap3A_48 = tpu.vector_load %arg8[%swap3A_47] {strides = array<i32>} : memref<1280xf32, #tpu.memory_space<vmem>>, vector<16xf32>,
      tpu.vector_store %arg8[%swap3A_47], %broadcast_in_dim3A_3 {strides = array<i32>} : memref<1280xf32, #tpu.memory_space<vmem>>, vector<16xf32>,
      %swap3A_49 = arith.constant 368 : index
      %swap3A_50 = tpu.vector_load %arg8[%swap3A_49] {strides = array<i32>} : memref<1280xf32, #tpu.memory_space<vmem>>, vector<16xf32>,
      tpu.vector_store %arg8[%swap3A_49], %broadcast_in_dim3A_3 {strides = array<i32>} : memref<1280xf32, #tpu.memory_space<vmem>>, vector<16xf32>,
      %swap3A_51 = arith.constant 384 : index
      %swap3A_52 = tpu.vector_load %arg8[%swap3A_51] {strides = array<i32>} : memref<1280xf32, #tpu.memory_space<vmem>>, vector<16xf32>,
      tpu.vector_store %arg8[%swap3A_51], %broadcast_in_dim3A_3 {strides = array<i32>} : memref<1280xf32, #tpu.memory_space<vmem>>, vector<16xf32>,
      %swap3A_53 = arith.constant 400 : index
      %swap3A_54 = tpu.vector_load %arg8[%swap3A_53] {strides = array<i32>} : memref<1280xf32, #tpu.memory_space<vmem>>, vector<16xf32>,
      tpu.vector_store %arg8[%swap3A_53], %broadcast_in_dim3A_3 {strides = array<i32>} : memref<1280xf32, #tpu.memory_space<vmem>>, vector<16xf32>,
      %swap3A_55 = arith.constant 416 : index
      %swap3A_56 = tpu.vector_load %arg8[%swap3A_55] {strides = array<i32>} : memref<1280xf32, #tpu.memory_space<vmem>>, vector<16xf32>,
      tpu.vector_store %arg8[%swap3A_55], %broadcast_in_dim3A_3 {strides = array<i32>} : memref<1280xf32, #tpu.memory_space<vmem>>, vector<16xf32>,
      %swap3A_57 = arith.constant 432 : index
      %swap3A_58 = tpu.vector_load %arg8[%swap3A_57] {strides = array<i32>} : memref<1280xf32, #tpu.memory_space<vmem>>, vector<16xf32>,
      tpu.vector_store %arg8[%swap3A_57], %broadcast_in_dim3A_3 {strides = array<i32>} : memref<1280xf32, #tpu.memory_space<vmem>>, vector<16xf32>,
      %swap3A_59 = arith.constant 448 : index
      %swap3A_60 = tpu.vector_load %arg8[%swap3A_59] {strides = array<i32>} : memref<1280xf32, #tpu.memory_space<vmem>>, vector<16xf32>,
      tpu.vector_store %arg8[%swap3A_59], %broadcast_in_dim3A_3 {strides = array<i32>} : memref<1280xf32, #tpu.memory_space<vmem>>, vector<16xf32>,
      %swap3A_61 = arith.constant 464 : index
      %swap3A_62 = tpu.vector_load %arg8[%swap3A_61] {strides = array<i32>} : memref<1280xf32, #tpu.memory_space<vmem>>, vector<16xf32>,
      tpu.vector_store %arg8[%swap3A_61], %broadcast_in_dim3A_3 {strides = array<i32>} : memref<1280xf32, #tpu.memory_space<vmem>>, vector<16xf32>,
      %swap3A_63 = arith.constant 480 : index
      %swap3A_64 = tpu.vector_load %arg8[%swap3A_63] {strides = array<i32>} : memref<1280xf32, #tpu.memory_space<vmem>>, vector<16xf32>,
      tpu.vector_store %arg8[%swap3A_63], %broadcast_in_dim3A_3 {strides = array<i32>} : memref<1280xf32, #tpu.memory_space<vmem>>, vector<16xf32>,
      %swap3A_65 = arith.constant 496 : index
      %swap3A_66 = tpu.vector_load %arg8[%swap3A_65] {strides = array<i32>} : memref<1280xf32, #tpu.memory_space<vmem>>, vector<16xf32>,
      tpu.vector_store %arg8[%swap3A_65], %broadcast_in_dim3A_3 {strides = array<i32>} : memref<1280xf32, #tpu.memory_space<vmem>>, vector<16xf32>,
      %swap3A_67 = arith.constant 512 : index
      %swap3A_68 = tpu.vector_load %arg8[%swap3A_67] {strides = array<i32>} : memref<1280xf32, #tpu.memory_space<vmem>>, vector<16xf32>,
      tpu.vector_store %arg8[%swap3A_67], %broadcast_in_dim3A_3 {strides = array<i32>} : memref<1280xf32, #tpu.memory_space<vmem>>, vector<16xf32>,
      %swap3A_69 = arith.constant 528 : index
      %swap3A_70 = tpu.vector_load %arg8[%swap3A_69] {strides = array<i32>} : memref<1280xf32, #tpu.memory_space<vmem>>, vector<16xf32>,
      tpu.vector_store %arg8[%swap3A_69], %broadcast_in_dim3A_3 {strides = array<i32>} : memref<1280xf32, #tpu.memory_space<vmem>>, vector<16xf32>,
      %swap3A_71 = arith.constant 544 : index
      %swap3A_72 = tpu.vector_load %arg8[%swap3A_71] {strides = array<i32>} : memref<1280xf32, #tpu.memory_space<vmem>>, vector<16xf32>,
      tpu.vector_store %arg8[%swap3A_71], %broadcast_in_dim3A_3 {strides = array<i32>} : memref<1280xf32, #tpu.memory_space<vmem>>, vector<16xf32>,
      %swap3A_73 = arith.constant 560 : index
      %swap3A_74 = tpu.vector_load %arg8[%swap3A_73] {strides = array<i32>} : memref<1280xf32, #tpu.memory_space<vmem>>, vector<16xf32>,
      tpu.vector_store %arg8[%swap3A_73], %broadcast_in_dim3A_3 {strides = array<i32>} : memref<1280xf32, #tpu.memory_space<vmem>>, vector<16xf32>,
      %swap3A_75 = arith.constant 576 : index
      %swap3A_76 = tpu.vector_load %arg8[%swap3A_75] {strides = array<i32>} : memref<1280xf32, #tpu.memory_space<vmem>>, vector<16xf32>,
      tpu.vector_store %arg8[%swap3A_75], %broadcast_in_dim3A_3 {strides = array<i32>} : memref<1280xf32, #tpu.memory_space<vmem>>, vector<16xf32>,
      %swap3A_77 = arith.constant 592 : index
      %swap3A_78 = tpu.vector_load %arg8[%swap3A_77] {strides = array<i32>} : memref<1280xf32, #tpu.memory_space<vmem>>, vector<16xf32>,
      tpu.vector_store %arg8[%swap3A_77], %broadcast_in_dim3A_3 {strides = array<i32>} : memref<1280xf32, #tpu.memory_space<vmem>>, vector<16xf32>,
      %swap3A_79 = arith.constant 608 : index
      %swap3A_80 = tpu.vector_load %arg8[%swap3A_79] {strides = array<i32>} : memref<1280xf32, #tpu.memory_space<vmem>>, vector<16xf32>,
      tpu.vector_store %arg8[%swap3A_79], %broadcast_in_dim3A_3 {strides = array<i32>} : memref<1280xf32, #tpu.memory_space<vmem>>, vector<16xf32>,
      %swap3A_81 = arith.constant 624 : index
      %swap3A_82 = tpu.vector_load %arg8[%swap3A_81] {strides = array<i32>} : memref<1280xf32, #tpu.memory_space<vmem>>, vector<16xf32>,
      tpu.vector_store %arg8[%swap3A_81], %broadcast_in_dim3A_3 {strides = array<i32>} : memref<1280xf32, #tpu.memory_space<vmem>>, vector<16xf32>,
      %swap3A_83 = arith.constant 640 : index
      %swap3A_84 = tpu.vector_load %arg8[%swap3A_83] {strides = array<i32>} : memref<1280xf32, #tpu.memory_space<vmem>>, vector<16xf32>,
      tpu.vector_store %arg8[%swap3A_83], %broadcast_in_dim3A_3 {strides = array<i32>} : memref<1280xf32, #tpu.memory_space<vmem>>, vector<16xf32>,
      %swap3A_85 = arith.constant 656 : index
      %swap3A_86 = tpu.vector_load %arg8[%swap3A_85] {strides = array<i32>} : memref<1280xf32, #tpu.memory_space<vmem>>, vector<16xf32>,
      tpu.vector_store %arg8[%swap3A_85], %broadcast_in_dim3A_3 {strides = array<i32>} : memref<1280xf32, #tpu.memory_space<vmem>>, vector<16xf32>,
      %swap3A_87 = arith.constant 672 : index
      %swap3A_88 = tpu.vector_load %arg8[%swap3A_87] {strides = array<i32>} : memref<1280xf32, #tpu.memory_space<vmem>>, vector<16xf32>,
      tpu.vector_store %arg8[%swap3A_87], %broadcast_in_dim3A_3 {strides = array<i32>} : memref<1280xf32, #tpu.memory_space<vmem>>, vector<16xf32>,
      %swap3A_89 = arith.constant 688 : index
      %swap3A_90 = tpu.vector_load %arg8[%swap3A_89] {strides = array<i32>} : memref<1280xf32, #tpu.memory_space<vmem>>, vector<16xf32>,
      tpu.vector_store %arg8[%swap3A_89], %broadcast_in_dim3A_3 {strides = array<i32>} : memref<1280xf32, #tpu.memory_space<vmem>>, vector<16xf32>,
      %swap3A_91 = arith.constant 704 : index
      %swap3A_92 = tpu.vector_load %arg8[%swap3A_91] {strides = array<i32>} : memref<1280xf32, #tpu.memory_space<vmem>>, vector<16xf32>,
      tpu.vector_store %arg8[%swap3A_91], %broadcast_in_dim3A_3 {strides = array<i32>} : memref<1280xf32, #tpu.memory_space<vmem>>, vector<16xf32>,
      %swap3A_93 = arith.constant 720 : index
      %swap3A_94 = tpu.vector_load %arg8[%swap3A_93] {strides = array<i32>} : memref<1280xf32, #tpu.memory_space<vmem>>, vector<16xf32>,
      tpu.vector_store %arg8[%swap3A_93], %broadcast_in_dim3A_3 {strides = array<i32>} : memref<1280xf32, #tpu.memory_space<vmem>>, vector<16xf32>,
      %swap3A_95 = arith.constant 736 : index
      %swap3A_96 = tpu.vector_load %arg8[%swap3A_95] {strides = array<i32>} : memref<1280xf32, #tpu.memory_space<vmem>>, vector<16xf32>,
      tpu.vector_store %arg8[%swap3A_95], %broadcast_in_dim3A_3 {strides = array<i32>} : memref<1280xf32, #tpu.memory_space<vmem>>, vector<16xf32>,
      %swap3A_97 = arith.constant 752 : index
      %swap3A_98 = tpu.vector_load %arg8[%swap3A_97] {strides = array<i32>} : memref<1280xf32, #tpu.memory_space<vmem>>, vector<16xf32>,
      tpu.vector_store %arg8[%swap3A_97], %broadcast_in_dim3A_3 {strides = array<i32>} : memref<1280xf32, #tpu.memory_space<vmem>>, vector<16xf32>,
      %swap3A_99 = arith.constant 768 : index
      %swap3A_100 = tpu.vector_load %arg8[%swap3A_99] {strides = array<i32>} : memref<1280xf32, #tpu.memory_space<vmem>>, vector<16xf32>,
      tpu.vector_store %arg8[%swap3A_99], %broadcast_in_dim3A_3 {strides = array<i32>} : memref<1280xf32, #tpu.memory_space<vmem>>, vector<16xf32>,
      %swap3A_101 = arith.constant 784 : index
      %swap3A_102 = tpu.vector_load %arg8[%swap3A_101] {strides = array<i32>} : memref<1280xf32, #tpu.memory_space<vmem>>, vector<16xf32>,
      tpu.vector_store %arg8[%swap3A_101], %broadcast_in_dim3A_3 {strides = array<i32>} : memref<1280xf32, #tpu.memory_space<vmem>>, vector<16xf32>,
      %swap3A_103 = arith.constant 800 : index
      %swap3A_104 = tpu.vector_load %arg8[%swap3A_103] {strides = array<i32>} : memref<1280xf32, #tpu.memory_space<vmem>>, vector<16xf32>,
      tpu.vector_store %arg8[%swap3A_103], %broadcast_in_dim3A_3 {strides = array<i32>} : memref<1280xf32, #tpu.memory_space<vmem>>, vector<16xf32>,
      %swap3A_105 = arith.constant 816 : index
      %swap3A_106 = tpu.vector_load %arg8[%swap3A_105] {strides = array<i32>} : memref<1280xf32, #tpu.memory_space<vmem>>, vector<16xf32>,
      tpu.vector_store %arg8[%swap3A_105], %broadcast_in_dim3A_3 {strides = array<i32>} : memref<1280xf32, #tpu.memory_space<vmem>>, vector<16xf32>,
      %swap3A_107 = arith.constant 832 : index
      %swap3A_108 = tpu.vector_load %arg8[%swap3A_107] {strides = array<i32>} : memref<1280xf32, #tpu.memory_space<vmem>>, vector<16xf32>,
      tpu.vector_store %arg8[%swap3A_107], %broadcast_in_dim3A_3 {strides = array<i32>} : memref<1280xf32, #tpu.memory_space<vmem>>, vector<16xf32>,
      %swap3A_109 = arith.constant 848 : index
      %swap3A_110 = tpu.vector_load %arg8[%swap3A_109] {strides = array<i32>} : memref<1280xf32, #tpu.memory_space<vmem>>, vector<16xf32>,
      tpu.vector_store %arg8[%swap3A_109], %broadcast_in_dim3A_3 {strides = array<i32>} : memref<1280xf32, #tpu.memory_space<vmem>>, vector<16xf32>,
      %swap3A_111 = arith.constant 864 : index
      %swap3A_112 = tpu.vector_load %arg8[%swap3A_111] {strides = array<i32>} : memref<1280xf32, #tpu.memory_space<vmem>>, vector<16xf32>,
      tpu.vector_store %arg8[%swap3A_111], %broadcast_in_dim3A_3 {strides = array<i32>} : memref<1280xf32, #tpu.memory_space<vmem>>, vector<16xf32>,
      %swap3A_113 = arith.constant 880 : index
      %swap3A_114 = tpu.vector_load %arg8[%swap3A_113] {strides = array<i32>} : memref<1280xf32, #tpu.memory_space<vmem>>, vector<16xf32>,
      tpu.vector_store %arg8[%swap3A_113], %broadcast_in_dim3A_3 {strides = array<i32>} : memref<1280xf32, #tpu.memory_space<vmem>>, vector<16xf32>,
      %swap3A_115 = arith.constant 896 : index
      %swap3A_116 = tpu.vector_load %arg8[%swap3A_115] {strides = array<i32>} : memref<1280xf32, #tpu.memory_space<vmem>>, vector<16xf32>,
      tpu.vector_store %arg8[%swap3A_115], %broadcast_in_dim3A_3 {strides = array<i32>} : memref<1280xf32, #tpu.memory_space<vmem>>, vector<16xf32>,
      %swap3A_117 = arith.constant 912 : index
      %swap3A_118 = tpu.vector_load %arg8[%swap3A_117] {strides = array<i32>} : memref<1280xf32, #tpu.memory_space<vmem>>, vector<16xf32>,
      tpu.vector_store %arg8[%swap3A_117], %broadcast_in_dim3A_3 {strides = array<i32>} : memref<1280xf32, #tpu.memory_space<vmem>>, vector<16xf32>,
      %swap3A_119 = arith.constant 928 : index
      %swap3A_120 = tpu.vector_load %arg8[%swap3A_119] {strides = array<i32>} : memref<1280xf32, #tpu.memory_space<vmem>>, vector<16xf32>,
      tpu.vector_store %arg8[%swap3A_119], %broadcast_in_dim3A_3 {strides = array<i32>} : memref<1280xf32, #tpu.memory_space<vmem>>, vector<16xf32>,
      %swap3A_121 = arith.constant 944 : index
      %swap3A_122 = tpu.vector_load %arg8[%swap3A_121] {strides = array<i32>} : memref<1280xf32, #tpu.memory_space<vmem>>, vector<16xf32>,
      tpu.vector_store %arg8[%swap3A_121], %broadcast_in_dim3A_3 {strides = array<i32>} : memref<1280xf32, #tpu.memory_space<vmem>>, vector<16xf32>,
      %swap3A_123 = arith.constant 960 : index
      %swap3A_124 = tpu.vector_load %arg8[%swap3A_123] {strides = array<i32>} : memref<1280xf32, #tpu.memory_space<vmem>>, vector<16xf32>,
      tpu.vector_store %arg8[%swap3A_123], %broadcast_in_dim3A_3 {strides = array<i32>} : memref<1280xf32, #tpu.memory_space<vmem>>, vector<16xf32>,
      %swap3A_125 = arith.constant 976 : index
      %swap3A_126 = tpu.vector_load %arg8[%swap3A_125] {strides = array<i32>} : memref<1280xf32, #tpu.memory_space<vmem>>, vector<16xf32>,
      tpu.vector_store %arg8[%swap3A_125], %broadcast_in_dim3A_3 {strides = array<i32>} : memref<1280xf32, #tpu.memory_space<vmem>>, vector<16xf32>,
      %swap3A_127 = arith.constant 992 : index
      %swap3A_128 = tpu.vector_load %arg8[%swap3A_127] {strides = array<i32>} : memref<1280xf32, #tpu.memory_space<vmem>>, vector<16xf32>,
      tpu.vector_store %arg8[%swap3A_127], %broadcast_in_dim3A_3 {strides = array<i32>} : memref<1280xf32, #tpu.memory_space<vmem>>, vector<16xf32>,
      %swap3A_129 = arith.constant 1008 : index
      %swap3A_130 = tpu.vector_load %arg8[%swap3A_129] {strides = array<i32>} : memref<1280xf32, #tpu.memory_space<vmem>>, vector<16xf32>,
      tpu.vector_store %arg8[%swap3A_129], %broadcast_in_dim3A_3 {strides = array<i32>} : memref<1280xf32, #tpu.memory_space<vmem>>, vector<16xf32>,
      %swap3A_131 = arith.constant 1024 : index
      %swap3A_132 = tpu.vector_load %arg8[%swap3A_131] {strides = array<i32>} : memref<1280xf32, #tpu.memory_space<vmem>>, vector<16xf32>,
      tpu.vector_store %arg8[%swap3A_131], %broadcast_in_dim3A_3 {strides = array<i32>} : memref<1280xf32, #tpu.memory_space<vmem>>, vector<16xf32>,
      %swap3A_133 = arith.constant 1040 : index
      %swap3A_134 = tpu.vector_load %arg8[%swap3A_133] {strides = array<i32>} : memref<1280xf32, #tpu.memory_space<vmem>>, vector<16xf32>,
      tpu.vector_store %arg8[%swap3A_133], %broadcast_in_dim3A_3 {strides = array<i32>} : memref<1280xf32, #tpu.memory_space<vmem>>, vector<16xf32>,
      %swap3A_135 = arith.constant 1056 : index
      %swap3A_136 = tpu.vector_load %arg8[%swap3A_135] {strides = array<i32>} : memref<1280xf32, #tpu.memory_space<vmem>>, vector<16xf32>,
      tpu.vector_store %arg8[%swap3A_135], %broadcast_in_dim3A_3 {strides = array<i32>} : memref<1280xf32, #tpu.memory_space<vmem>>, vector<16xf32>,
      %swap3A_137 = arith.constant 1072 : index
      %swap3A_138 = tpu.vector_load %arg8[%swap3A_137] {strides = array<i32>} : memref<1280xf32, #tpu.memory_space<vmem>>, vector<16xf32>,
      tpu.vector_store %arg8[%swap3A_137], %broadcast_in_dim3A_3 {strides = array<i32>} : memref<1280xf32, #tpu.memory_space<vmem>>, vector<16xf32>,
      %swap3A_139 = arith.constant 1088 : index
      %swap3A_140 = tpu.vector_load %arg8[%swap3A_139] {strides = array<i32>} : memref<1280xf32, #tpu.memory_space<vmem>>, vector<16xf32>,
      tpu.vector_store %arg8[%swap3A_139], %broadcast_in_dim3A_3 {strides = array<i32>} : memref<1280xf32, #tpu.memory_space<vmem>>, vector<16xf32>,
      %swap3A_141 = arith.constant 1104 : index
      %swap3A_142 = tpu.vector_load %arg8[%swap3A_141] {strides = array<i32>} : memref<1280xf32, #tpu.memory_space<vmem>>, vector<16xf32>,
      tpu.vector_store %arg8[%swap3A_141], %broadcast_in_dim3A_3 {strides = array<i32>} : memref<1280xf32, #tpu.memory_space<vmem>>, vector<16xf32>,
      %swap3A_143 = arith.constant 1120 : index
      %swap3A_144 = tpu.vector_load %arg8[%swap3A_143] {strides = array<i32>} : memref<1280xf32, #tpu.memory_space<vmem>>, vector<16xf32>,
      tpu.vector_store %arg8[%swap3A_143], %broadcast_in_dim3A_3 {strides = array<i32>} : memref<1280xf32, #tpu.memory_space<vmem>>, vector<16xf32>,
      %swap3A_145 = arith.constant 1136 : index
      %swap3A_146 = tpu.vector_load %arg8[%swap3A_145] {strides = array<i32>} : memref<1280xf32, #tpu.memory_space<vmem>>, vector<16xf32>,
      tpu.vector_store %arg8[%swap3A_145], %broadcast_in_dim3A_3 {strides = array<i32>} : memref<1280xf32, #tpu.memory_space<vmem>>, vector<16xf32>,
      %swap3A_147 = arith.constant 1152 : index
      %swap3A_148 = tpu.vector_load %arg8[%swap3A_147] {strides = array<i32>} : memref<1280xf32, #tpu.memory_space<vmem>>, vector<16xf32>,
      tpu.vector_store %arg8[%swap3A_147], %broadcast_in_dim3A_3 {strides = array<i32>} : memref<1280xf32, #tpu.memory_space<vmem>>, vector<16xf32>,
      %swap3A_149 = arith.constant 1168 : index
      %swap3A_150 = tpu.vector_load %arg8[%swap3A_149] {strides = array<i32>} : memref<1280xf32, #tpu.memory_space<vmem>>, vector<16xf32>,
      tpu.vector_store %arg8[%swap3A_149], %broadcast_in_dim3A_3 {strides = array<i32>} : memref<1280xf32, #tpu.memory_space<vmem>>, vector<16xf32>,
      %swap3A_151 = arith.constant 1184 : index
      %swap3A_152 = tpu.vector_load %arg8[%swap3A_151] {strides = array<i32>} : memref<1280xf32, #tpu.memory_space<vmem>>, vector<16xf32>,
      tpu.vector_store %arg8[%swap3A_151], %broadcast_in_dim3A_3 {strides = array<i32>} : memref<1280xf32, #tpu.memory_space<vmem>>, vector<16xf32>,
      %swap3A_153 = arith.constant 1200 : index
      %swap3A_154 = tpu.vector_load %arg8[%swap3A_153] {strides = array<i32>} : memref<1280xf32, #tpu.memory_space<vmem>>, vector<16xf32>,
      tpu.vector_store %arg8[%swap3A_153], %broadcast_in_dim3A_3 {strides = array<i32>} : memref<1280xf32, #tpu.memory_space<vmem>>, vector<16xf32>,
      %swap3A_155 = arith.constant 1216 : index
      %swap3A_156 = tpu.vector_load %arg8[%swap3A_155] {strides = array<i32>} : memref<1280xf32, #tpu.memory_space<vmem>>, vector<16xf32>,
      tpu.vector_store %arg8[%swap3A_155], %broadcast_in_dim3A_3 {strides = array<i32>} : memref<1280xf32, #tpu.memory_space<vmem>>, vector<16xf32>,
      %swap3A_157 = arith.constant 1232 : index
      %swap3A_158 = tpu.vector_load %arg8[%swap3A_157] {strides = array<i32>} : memref<1280xf32, #tpu.memory_space<vmem>>, vector<16xf32>,
      tpu.vector_store %arg8[%swap3A_157], %broadcast_in_dim3A_3 {strides = array<i32>} : memref<1280xf32, #tpu.memory_space<vmem>>, vector<16xf32>,
      %swap3A_159 = arith.constant 1248 : index
      %swap3A_160 = tpu.vector_load %arg8[%swap3A_159] {strides = array<i32>} : memref<1280xf32, #tpu.memory_space<vmem>>, vector<16xf32>,
      tpu.vector_store %arg8[%swap3A_159], %broadcast_in_dim3A_3 {strides = array<i32>} : memref<1280xf32, #tpu.memory_space<vmem>>, vector<16xf32>,
      %swap3A_161 = arith.constant 1264 : index
      %swap3A_162 = tpu.vector_load %arg8[%swap3A_161] {strides = array<i32>} : memref<1280xf32, #tpu.memory_space<vmem>>, vector<16xf32>,
      tpu.vector_store %arg8[%swap3A_161], %broadcast_in_dim3A_3 {strides = array<i32>} : memref<1280xf32, #tpu.memory_space<vmem>>, vector<16xf32>,
      %swap3A_163 = arith.constant 0 : index
      %swap3A_164 = tpu.vector_load %arg7[%swap3A_163] {strides = array<i32>} : memref<1040xf32, #tpu.memory_space<vmem>>, vector<16xf32>,
      tpu.vector_store %arg7[%swap3A_163], %broadcast_in_dim3A_3 {strides = array<i32>} : memref<1040xf32, #tpu.memory_space<vmem>>, vector<16xf32>,
      %swap3A_165 = arith.constant 16 : index
      %swap3A_166 = tpu.vector_load %arg7[%swap3A_165] {strides = array<i32>} : memref<1040xf32, #tpu.memory_space<vmem>>, vector<16xf32>,
      tpu.vector_store %arg7[%swap3A_165], %broadcast_in_dim3A_3 {strides = array<i32>} : memref<1040xf32, #tpu.memory_space<vmem>>, vector<16xf32>,
      %swap3A_167 = arith.constant 32 : index
      %swap3A_168 = tpu.vector_load %arg7[%swap3A_167] {strides = array<i32>} : memref<1040xf32, #tpu.memory_space<vmem>>, vector<16xf32>,
      tpu.vector_store %arg7[%swap3A_167], %broadcast_in_dim3A_3 {strides = array<i32>} : memref<1040xf32, #tpu.memory_space<vmem>>, vector<16xf32>,
      %swap3A_169 = arith.constant 48 : index
      %swap3A_170 = tpu.vector_load %arg7[%swap3A_169] {strides = array<i32>} : memref<1040xf32, #tpu.memory_space<vmem>>, vector<16xf32>,
      tpu.vector_store %arg7[%swap3A_169], %broadcast_in_dim3A_3 {strides = array<i32>} : memref<1040xf32, #tpu.memory_space<vmem>>, vector<16xf32>,
      %swap3A_171 = arith.constant 64 : index
      %swap3A_172 = tpu.vector_load %arg7[%swap3A_171] {strides = array<i32>} : memref<1040xf32, #tpu.memory_space<vmem>>, vector<16xf32>,
      tpu.vector_store %arg7[%swap3A_171], %broadcast_in_dim3A_3 {strides = array<i32>} : memref<1040xf32, #tpu.memory_space<vmem>>, vector<16xf32>,
      %swap3A_173 = arith.constant 80 : index
      %swap3A_174 = tpu.vector_load %arg7[%swap3A_173] {strides = array<i32>} : memref<1040xf32, #tpu.memory_space<vmem>>, vector<16xf32>,
      tpu.vector_store %arg7[%swap3A_173], %broadcast_in_dim3A_3 {strides = array<i32>} : memref<1040xf32, #tpu.memory_space<vmem>>, vector<16xf32>,
      %swap3A_175 = arith.constant 96 : index
      %swap3A_176 = tpu.vector_load %arg7[%swap3A_175] {strides = array<i32>} : memref<1040xf32, #tpu.memory_space<vmem>>, vector<16xf32>,
      tpu.vector_store %arg7[%swap3A_175], %broadcast_in_dim3A_3 {strides = array<i32>} : memref<1040xf32, #tpu.memory_space<vmem>>, vector<16xf32>,
      %swap3A_177 = arith.constant 112 : index
      %swap3A_178 = tpu.vector_load %arg7[%swap3A_177] {strides = array<i32>} : memref<1040xf32, #tpu.memory_space<vmem>>, vector<16xf32>,
      tpu.vector_store %arg7[%swap3A_177], %broadcast_in_dim3A_3 {strides = array<i32>} : memref<1040xf32, #tpu.memory_space<vmem>>, vector<16xf32>,
      %swap3A_179 = arith.constant 128 : index
      %swap3A_180 = tpu.vector_load %arg7[%swap3A_179] {strides = array<i32>} : memref<1040xf32, #tpu.memory_space<vmem>>, vector<16xf32>,
      tpu.vector_store %arg7[%swap3A_179], %broadcast_in_dim3A_3 {strides = array<i32>} : memref<1040xf32, #tpu.memory_space<vmem>>, vector<16xf32>,
      %swap3A_181 = arith.constant 144 : index
      %swap3A_182 = tpu.vector_load %arg7[%swap3A_181] {strides = array<i32>} : memref<1040xf32, #tpu.memory_space<vmem>>, vector<16xf32>,
      tpu.vector_store %arg7[%swap3A_181], %broadcast_in_dim3A_3 {strides = array<i32>} : memref<1040xf32, #tpu.memory_space<vmem>>, vector<16xf32>,
      %swap3A_183 = arith.constant 160 : index
      %swap3A_184 = tpu.vector_load %arg7[%swap3A_183] {strides = array<i32>} : memref<1040xf32, #tpu.memory_space<vmem>>, vector<16xf32>,
      tpu.vector_store %arg7[%swap3A_183], %broadcast_in_dim3A_3 {strides = array<i32>} : memref<1040xf32, #tpu.memory_space<vmem>>, vector<16xf32>,
      %swap3A_185 = arith.constant 176 : index
      %swap3A_186 = tpu.vector_load %arg7[%swap3A_185] {strides = array<i32>} : memref<1040xf32, #tpu.memory_space<vmem>>, vector<16xf32>,
      tpu.vector_store %arg7[%swap3A_185], %broadcast_in_dim3A_3 {strides = array<i32>} : memref<1040xf32, #tpu.memory_space<vmem>>, vector<16xf32>,
      %swap3A_187 = arith.constant 192 : index
      %swap3A_188 = tpu.vector_load %arg7[%swap3A_187] {strides = array<i32>} : memref<1040xf32, #tpu.memory_space<vmem>>, vector<16xf32>,
      tpu.vector_store %arg7[%swap3A_187], %broadcast_in_dim3A_3 {strides = array<i32>} : memref<1040xf32, #tpu.memory_space<vmem>>, vector<16xf32>,
      %swap3A_189 = arith.constant 208 : index
      %swap3A_190 = tpu.vector_load %arg7[%swap3A_189] {strides = array<i32>} : memref<1040xf32, #tpu.memory_space<vmem>>, vector<16xf32>,
      tpu.vector_store %arg7[%swap3A_189], %broadcast_in_dim3A_3 {strides = array<i32>} : memref<1040xf32, #tpu.memory_space<vmem>>, vector<16xf32>,
      %swap3A_191 = arith.constant 224 : index
      %swap3A_192 = tpu.vector_load %arg7[%swap3A_191] {strides = array<i32>} : memref<1040xf32, #tpu.memory_space<vmem>>, vector<16xf32>,
      tpu.vector_store %arg7[%swap3A_191], %broadcast_in_dim3A_3 {strides = array<i32>} : memref<1040xf32, #tpu.memory_space<vmem>>, vector<16xf32>,
      %swap3A_193 = arith.constant 240 : index
      %swap3A_194 = tpu.vector_load %arg7[%swap3A_193] {strides = array<i32>} : memref<1040xf32, #tpu.memory_space<vmem>>, vector<16xf32>,
      tpu.vector_store %arg7[%swap3A_193], %broadcast_in_dim3A_3 {strides = array<i32>} : memref<1040xf32, #tpu.memory_space<vmem>>, vector<16xf32>,
      %swap3A_195 = arith.constant 256 : index
      %swap3A_196 = tpu.vector_load %arg7[%swap3A_195] {strides = array<i32>} : memref<1040xf32, #tpu.memory_space<vmem>>, vector<16xf32>,
      tpu.vector_store %arg7[%swap3A_195], %broadcast_in_dim3A_3 {strides = array<i32>} : memref<1040xf32, #tpu.memory_space<vmem>>, vector<16xf32>,
      %swap3A_197 = arith.constant 272 : index
      %swap3A_198 = tpu.vector_load %arg7[%swap3A_197] {strides = array<i32>} : memref<1040xf32, #tpu.memory_space<vmem>>, vector<16xf32>,
      tpu.vector_store %arg7[%swap3A_197], %broadcast_in_dim3A_3 {strides = array<i32>} : memref<1040xf32, #tpu.memory_space<vmem>>, vector<16xf32>,
      %swap3A_199 = arith.constant 288 : index
      %swap3A_200 = tpu.vector_load %arg7[%swap3A_199] {strides = array<i32>} : memref<1040xf32, #tpu.memory_space<vmem>>, vector<16xf32>,
      tpu.vector_store %arg7[%swap3A_199], %broadcast_in_dim3A_3 {strides = array<i32>} : memref<1040xf32, #tpu.memory_space<vmem>>, vector<16xf32>,
      %swap3A_201 = arith.constant 304 : index
      %swap3A_202 = tpu.vector_load %arg7[%swap3A_201] {strides = array<i32>} : memref<1040xf32, #tpu.memory_space<vmem>>, vector<16xf32>,
      tpu.vector_store %arg7[%swap3A_201], %broadcast_in_dim3A_3 {strides = array<i32>} : memref<1040xf32, #tpu.memory_space<vmem>>, vector<16xf32>,
      %swap3A_203 = arith.constant 320 : index
      %swap3A_204 = tpu.vector_load %arg7[%swap3A_203] {strides = array<i32>} : memref<1040xf32, #tpu.memory_space<vmem>>, vector<16xf32>,
      tpu.vector_store %arg7[%swap3A_203], %broadcast_in_dim3A_3 {strides = array<i32>} : memref<1040xf32, #tpu.memory_space<vmem>>, vector<16xf32>,
      %swap3A_205 = arith.constant 336 : index
      %swap3A_206 = tpu.vector_load %arg7[%swap3A_205] {strides = array<i32>} : memref<1040xf32, #tpu.memory_space<vmem>>, vector<16xf32>,
      tpu.vector_store %arg7[%swap3A_205], %broadcast_in_dim3A_3 {strides = array<i32>} : memref<1040xf32, #tpu.memory_space<vmem>>, vector<16xf32>,
      %swap3A_207 = arith.constant 352 : index
      %swap3A_208 = tpu.vector_load %arg7[%swap3A_207] {strides = array<i32>} : memref<1040xf32, #tpu.memory_space<vmem>>, vector<16xf32>,
      tpu.vector_store %arg7[%swap3A_207], %broadcast_in_dim3A_3 {strides = array<i32>} : memref<1040xf32, #tpu.memory_space<vmem>>, vector<16xf32>,
      %swap3A_209 = arith.constant 368 : index
      %swap3A_210 = tpu.vector_load %arg7[%swap3A_209] {strides = array<i32>} : memref<1040xf32, #tpu.memory_space<vmem>>, vector<16xf32>,
      tpu.vector_store %arg7[%swap3A_209], %broadcast_in_dim3A_3 {strides = array<i32>} : memref<1040xf32, #tpu.memory_space<vmem>>, vector<16xf32>,
      %swap3A_211 = arith.constant 384 : index
      %swap3A_212 = tpu.vector_load %arg7[%swap3A_211] {strides = array<i32>} : memref<1040xf32, #tpu.memory_space<vmem>>, vector<16xf32>,
      tpu.vector_store %arg7[%swap3A_211], %broadcast_in_dim3A_3 {strides = array<i32>} : memref<1040xf32, #tpu.memory_space<vmem>>, vector<16xf32>,
      %swap3A_213 = arith.constant 400 : index
      %swap3A_214 = tpu.vector_load %arg7[%swap3A_213] {strides = array<i32>} : memref<1040xf32, #tpu.memory_space<vmem>>, vector<16xf32>,
      tpu.vector_store %arg7[%swap3A_213], %broadcast_in_dim3A_3 {strides = array<i32>} : memref<1040xf32, #tpu.memory_space<vmem>>, vector<16xf32>,
      %swap3A_215 = arith.constant 416 : index
      %swap3A_216 = tpu.vector_load %arg7[%swap3A_215] {strides = array<i32>} : memref<1040xf32, #tpu.memory_space<vmem>>, vector<16xf32>,
      tpu.vector_store %arg7[%swap3A_215], %broadcast_in_dim3A_3 {strides = array<i32>} : memref<1040xf32, #tpu.memory_space<vmem>>, vector<16xf32>,
      %swap3A_217 = arith.constant 432 : index
      %swap3A_218 = tpu.vector_load %arg7[%swap3A_217] {strides = array<i32>} : memref<1040xf32, #tpu.memory_space<vmem>>, vector<16xf32>,
      tpu.vector_store %arg7[%swap3A_217], %broadcast_in_dim3A_3 {strides = array<i32>} : memref<1040xf32, #tpu.memory_space<vmem>>, vector<16xf32>,
      %swap3A_219 = arith.constant 448 : index
      %swap3A_220 = tpu.vector_load %arg7[%swap3A_219] {strides = array<i32>} : memref<1040xf32, #tpu.memory_space<vmem>>, vector<16xf32>,
      tpu.vector_store %arg7[%swap3A_219], %broadcast_in_dim3A_3 {strides = array<i32>} : memref<1040xf32, #tpu.memory_space<vmem>>, vector<16xf32>,
      %swap3A_221 = arith.constant 464 : index
      %swap3A_222 = tpu.vector_load %arg7[%swap3A_221] {strides = array<i32>} : memref<1040xf32, #tpu.memory_space<vmem>>, vector<16xf32>,
      tpu.vector_store %arg7[%swap3A_221], %broadcast_in_dim3A_3 {strides = array<i32>} : memref<1040xf32, #tpu.memory_space<vmem>>, vector<16xf32>,
      %swap3A_223 = arith.constant 480 : index
      %swap3A_224 = tpu.vector_load %arg7[%swap3A_223] {strides = array<i32>} : memref<1040xf32, #tpu.memory_space<vmem>>, vector<16xf32>,
      tpu.vector_store %arg7[%swap3A_223], %broadcast_in_dim3A_3 {strides = array<i32>} : memref<1040xf32, #tpu.memory_space<vmem>>, vector<16xf32>,
      %swap3A_225 = arith.constant 496 : index
      %swap3A_226 = tpu.vector_load %arg7[%swap3A_225] {strides = array<i32>} : memref<1040xf32, #tpu.memory_space<vmem>>, vector<16xf32>,
      tpu.vector_store %arg7[%swap3A_225], %broadcast_in_dim3A_3 {strides = array<i32>} : memref<1040xf32, #tpu.memory_space<vmem>>, vector<16xf32>,
      %swap3A_227 = arith.constant 512 : index
      %swap3A_228 = tpu.vector_load %arg7[%swap3A_227] {strides = array<i32>} : memref<1040xf32, #tpu.memory_space<vmem>>, vector<16xf32>,
      tpu.vector_store %arg7[%swap3A_227], %broadcast_in_dim3A_3 {strides = array<i32>} : memref<1040xf32, #tpu.memory_space<vmem>>, vector<16xf32>,
      %swap3A_229 = arith.constant 528 : index
      %swap3A_230 = tpu.vector_load %arg7[%swap3A_229] {strides = array<i32>} : memref<1040xf32, #tpu.memory_space<vmem>>, vector<16xf32>,
      tpu.vector_store %arg7[%swap3A_229], %broadcast_in_dim3A_3 {strides = array<i32>} : memref<1040xf32, #tpu.memory_space<vmem>>, vector<16xf32>,
      %swap3A_231 = arith.constant 544 : index
      %swap3A_232 = tpu.vector_load %arg7[%swap3A_231] {strides = array<i32>} : memref<1040xf32, #tpu.memory_space<vmem>>, vector<16xf32>,
      tpu.vector_store %arg7[%swap3A_231], %broadcast_in_dim3A_3 {strides = array<i32>} : memref<1040xf32, #tpu.memory_space<vmem>>, vector<16xf32>,
      %swap3A_233 = arith.constant 560 : index
      %swap3A_234 = tpu.vector_load %arg7[%swap3A_233] {strides = array<i32>} : memref<1040xf32, #tpu.memory_space<vmem>>, vector<16xf32>,
      tpu.vector_store %arg7[%swap3A_233], %broadcast_in_dim3A_3 {strides = array<i32>} : memref<1040xf32, #tpu.memory_space<vmem>>, vector<16xf32>,
      %swap3A_235 = arith.constant 576 : index
      %swap3A_236 = tpu.vector_load %arg7[%swap3A_235] {strides = array<i32>} : memref<1040xf32, #tpu.memory_space<vmem>>, vector<16xf32>,
      tpu.vector_store %arg7[%swap3A_235], %broadcast_in_dim3A_3 {strides = array<i32>} : memref<1040xf32, #tpu.memory_space<vmem>>, vector<16xf32>,
      %swap3A_237 = arith.constant 592 : index
      %swap3A_238 = tpu.vector_load %arg7[%swap3A_237] {strides = array<i32>} : memref<1040xf32, #tpu.memory_space<vmem>>, vector<16xf32>,
      tpu.vector_store %arg7[%swap3A_237], %broadcast_in_dim3A_3 {strides = array<i32>} : memref<1040xf32, #tpu.memory_space<vmem>>, vector<16xf32>,
      %swap3A_239 = arith.constant 608 : index
      %swap3A_240 = tpu.vector_load %arg7[%swap3A_239] {strides = array<i32>} : memref<1040xf32, #tpu.memory_space<vmem>>, vector<16xf32>,
      tpu.vector_store %arg7[%swap3A_239], %broadcast_in_dim3A_3 {strides = array<i32>} : memref<1040xf32, #tpu.memory_space<vmem>>, vector<16xf32>,
      %swap3A_241 = arith.constant 624 : index
      %swap3A_242 = tpu.vector_load %arg7[%swap3A_241] {strides = array<i32>} : memref<1040xf32, #tpu.memory_space<vmem>>, vector<16xf32>,
      tpu.vector_store %arg7[%swap3A_241], %broadcast_in_dim3A_3 {strides = array<i32>} : memref<1040xf32, #tpu.memory_space<vmem>>, vector<16xf32>,
      %swap3A_243 = arith.constant 640 : index
      %swap3A_244 = tpu.vector_load %arg7[%swap3A_243] {strides = array<i32>} : memref<1040xf32, #tpu.memory_space<vmem>>, vector<16xf32>,
      tpu.vector_store %arg7[%swap3A_243], %broadcast_in_dim3A_3 {strides = array<i32>} : memref<1040xf32, #tpu.memory_space<vmem>>, vector<16xf32>,
      %swap3A_245 = arith.constant 656 : index
      %swap3A_246 = tpu.vector_load %arg7[%swap3A_245] {strides = array<i32>} : memref<1040xf32, #tpu.memory_space<vmem>>, vector<16xf32>,
      tpu.vector_store %arg7[%swap3A_245], %broadcast_in_dim3A_3 {strides = array<i32>} : memref<1040xf32, #tpu.memory_space<vmem>>, vector<16xf32>,
      %swap3A_247 = arith.constant 672 : index
      %swap3A_248 = tpu.vector_load %arg7[%swap3A_247] {strides = array<i32>} : memref<1040xf32, #tpu.memory_space<vmem>>, vector<16xf32>,
      tpu.vector_store %arg7[%swap3A_247], %broadcast_in_dim3A_3 {strides = array<i32>} : memref<1040xf32, #tpu.memory_space<vmem>>, vector<16xf32>,
      %swap3A_249 = arith.constant 688 : index
      %swap3A_250 = tpu.vector_load %arg7[%swap3A_249] {strides = array<i32>} : memref<1040xf32, #tpu.memory_space<vmem>>, vector<16xf32>,
      tpu.vector_store %arg7[%swap3A_249], %broadcast_in_dim3A_3 {strides = array<i32>} : memref<1040xf32, #tpu.memory_space<vmem>>, vector<16xf32>,
      %swap3A_251 = arith.constant 704 : index
      %swap3A_252 = tpu.vector_load %arg7[%swap3A_251] {strides = array<i32>} : memref<1040xf32, #tpu.memory_space<vmem>>, vector<16xf32>,
      tpu.vector_store %arg7[%swap3A_251], %broadcast_in_dim3A_3 {strides = array<i32>} : memref<1040xf32, #tpu.memory_space<vmem>>, vector<16xf32>,
      %swap3A_253 = arith.constant 720 : index
      %swap3A_254 = tpu.vector_load %arg7[%swap3A_253] {strides = array<i32>} : memref<1040xf32, #tpu.memory_space<vmem>>, vector<16xf32>,
      tpu.vector_store %arg7[%swap3A_253], %broadcast_in_dim3A_3 {strides = array<i32>} : memref<1040xf32, #tpu.memory_space<vmem>>, vector<16xf32>,
      %swap3A_255 = arith.constant 736 : index
      %swap3A_256 = tpu.vector_load %arg7[%swap3A_255] {strides = array<i32>} : memref<1040xf32, #tpu.memory_space<vmem>>, vector<16xf32>,
      tpu.vector_store %arg7[%swap3A_255], %broadcast_in_dim3A_3 {strides = array<i32>} : memref<1040xf32, #tpu.memory_space<vmem>>, vector<16xf32>,
      %swap3A_257 = arith.constant 752 : index
      %swap3A_258 = tpu.vector_load %arg7[%swap3A_257] {strides = array<i32>} : memref<1040xf32, #tpu.memory_space<vmem>>, vector<16xf32>,
      tpu.vector_store %arg7[%swap3A_257], %broadcast_in_dim3A_3 {strides = array<i32>} : memref<1040xf32, #tpu.memory_space<vmem>>, vector<16xf32>,
      %swap3A_259 = arith.constant 768 : index
      %swap3A_260 = tpu.vector_load %arg7[%swap3A_259] {strides = array<i32>} : memref<1040xf32, #tpu.memory_space<vmem>>, vector<16xf32>,
      tpu.vector_store %arg7[%swap3A_259], %broadcast_in_dim3A_3 {strides = array<i32>} : memref<1040xf32, #tpu.memory_space<vmem>>, vector<16xf32>,
      %swap3A_261 = arith.constant 784 : index
      %swap3A_262 = tpu.vector_load %arg7[%swap3A_261] {strides = array<i32>} : memref<1040xf32, #tpu.memory_space<vmem>>, vector<16xf32>,
      tpu.vector_store %arg7[%swap3A_261], %broadcast_in_dim3A_3 {strides = array<i32>} : memref<1040xf32, #tpu.memory_space<vmem>>, vector<16xf32>,
      %swap3A_263 = arith.constant 800 : index
      %swap3A_264 = tpu.vector_load %arg7[%swap3A_263] {strides = array<i32>} : memref<1040xf32, #tpu.memory_space<vmem>>, vector<16xf32>,
      tpu.vector_store %arg7[%swap3A_263], %broadcast_in_dim3A_3 {strides = array<i32>} : memref<1040xf32, #tpu.memory_space<vmem>>, vector<16xf32>,
      %swap3A_265 = arith.constant 816 : index
      %swap3A_266 = tpu.vector_load %arg7[%swap3A_265] {strides = array<i32>} : memref<1040xf32, #tpu.memory_space<vmem>>, vector<16xf32>,
      tpu.vector_store %arg7[%swap3A_265], %broadcast_in_dim3A_3 {strides = array<i32>} : memref<1040xf32, #tpu.memory_space<vmem>>, vector<16xf32>,
      %swap3A_267 = arith.constant 832 : index
      %swap3A_268 = tpu.vector_load %arg7[%swap3A_267] {strides = array<i32>} : memref<1040xf32, #tpu.memory_space<vmem>>, vector<16xf32>,
      tpu.vector_store %arg7[%swap3A_267], %broadcast_in_dim3A_3 {strides = array<i32>} : memref<1040xf32, #tpu.memory_space<vmem>>, vector<16xf32>,
      %swap3A_269 = arith.constant 848 : index
      %swap3A_270 = tpu.vector_load %arg7[%swap3A_269] {strides = array<i32>} : memref<1040xf32, #tpu.memory_space<vmem>>, vector<16xf32>,
      tpu.vector_store %arg7[%swap3A_269], %broadcast_in_dim3A_3 {strides = array<i32>} : memref<1040xf32, #tpu.memory_space<vmem>>, vector<16xf32>,
      %swap3A_271 = arith.constant 864 : index
      %swap3A_272 = tpu.vector_load %arg7[%swap3A_271] {strides = array<i32>} : memref<1040xf32, #tpu.memory_space<vmem>>, vector<16xf32>,
      tpu.vector_store %arg7[%swap3A_271], %broadcast_in_dim3A_3 {strides = array<i32>} : memref<1040xf32, #tpu.memory_space<vmem>>, vector<16xf32>,
      %swap3A_273 = arith.constant 880 : index
      %swap3A_274 = tpu.vector_load %arg7[%swap3A_273] {strides = array<i32>} : memref<1040xf32, #tpu.memory_space<vmem>>, vector<16xf32>,
      tpu.vector_store %arg7[%swap3A_273], %broadcast_in_dim3A_3 {strides = array<i32>} : memref<1040xf32, #tpu.memory_space<vmem>>, vector<16xf32>,
      %swap3A_275 = arith.constant 896 : index
      %swap3A_276 = tpu.vector_load %arg7[%swap3A_275] {strides = array<i32>} : memref<1040xf32, #tpu.memory_space<vmem>>, vector<16xf32>,
      tpu.vector_store %arg7[%swap3A_275], %broadcast_in_dim3A_3 {strides = array<i32>} : memref<1040xf32, #tpu.memory_space<vmem>>, vector<16xf32>,
      %swap3A_277 = arith.constant 912 : index
      %swap3A_278 = tpu.vector_load %arg7[%swap3A_277] {strides = array<i32>} : memref<1040xf32, #tpu.memory_space<vmem>>, vector<16xf32>,
      tpu.vector_store %arg7[%swap3A_277], %broadcast_in_dim3A_3 {strides = array<i32>} : memref<1040xf32, #tpu.memory_space<vmem>>, vector<16xf32>,
      %swap3A_279 = arith.constant 928 : index
      %swap3A_280 = tpu.vector_load %arg7[%swap3A_279] {strides = array<i32>} : memref<1040xf32, #tpu.memory_space<vmem>>, vector<16xf32>,
      tpu.vector_store %arg7[%swap3A_279], %broadcast_in_dim3A_3 {strides = array<i32>} : memref<1040xf32, #tpu.memory_space<vmem>>, vector<16xf32>,
      %swap3A_281 = arith.constant 944 : index
      %swap3A_282 = tpu.vector_load %arg7[%swap3A_281] {strides = array<i32>} : memref<1040xf32, #tpu.memory_space<vmem>>, vector<16xf32>,
      tpu.vector_store %arg7[%swap3A_281], %broadcast_in_dim3A_3 {strides = array<i32>} : memref<1040xf32, #tpu.memory_space<vmem>>, vector<16xf32>,
      %swap3A_283 = arith.constant 960 : index
      %swap3A_284 = tpu.vector_load %arg7[%swap3A_283] {strides = array<i32>} : memref<1040xf32, #tpu.memory_space<vmem>>, vector<16xf32>,
      tpu.vector_store %arg7[%swap3A_283], %broadcast_in_dim3A_3 {strides = array<i32>} : memref<1040xf32, #tpu.memory_space<vmem>>, vector<16xf32>,
      %swap3A_285 = arith.constant 976 : index
      %swap3A_286 = tpu.vector_load %arg7[%swap3A_285] {strides = array<i32>} : memref<1040xf32, #tpu.memory_space<vmem>>, vector<16xf32>,
      tpu.vector_store %arg7[%swap3A_285], %broadcast_in_dim3A_3 {strides = array<i32>} : memref<1040xf32, #tpu.memory_space<vmem>>, vector<16xf32>,
      %swap3A_287 = arith.constant 992 : index
      %swap3A_288 = tpu.vector_load %arg7[%swap3A_287] {strides = array<i32>} : memref<1040xf32, #tpu.memory_space<vmem>>, vector<16xf32>,
      tpu.vector_store %arg7[%swap3A_287], %broadcast_in_dim3A_3 {strides = array<i32>} : memref<1040xf32, #tpu.memory_space<vmem>>, vector<16xf32>,
      %swap3A_289 = arith.constant 1008 : index
      %swap3A_290 = tpu.vector_load %arg7[%swap3A_289] {strides = array<i32>} : memref<1040xf32, #tpu.memory_space<vmem>>, vector<16xf32>,
      tpu.vector_store %arg7[%swap3A_289], %broadcast_in_dim3A_3 {strides = array<i32>} : memref<1040xf32, #tpu.memory_space<vmem>>, vector<16xf32>,
      %swap3A_291 = arith.constant 1024 : index
      %swap3A_292 = tpu.vector_load %arg7[%swap3A_291] {strides = array<i32>} : memref<1040xf32, #tpu.memory_space<vmem>>, vector<16xf32>,
      tpu.vector_store %arg7[%swap3A_291], %broadcast_in_dim3A_3 {strides = array<i32>} : memref<1040xf32, #tpu.memory_space<vmem>>, vector<16xf32>,
      %iota3A = tpu.iota {dimensions = array<i32: 0>} : vector<16xi32>
      %while3A = arith.constant 0 : i32
      %while3A_293 = arith.constant true
      %while3A_294:2 = scf.while (%while3A_295 = %while3A, %while3A_296 = %while3A_293) : (i32, i1) -> (i32, i1) {
        %lt3A_297 = arith.constant 200 : i32
        %lt3A_298 = arith.cmpi slt, %while3A_295, %lt3A_297 : i32
        %and3A = arith.andi %lt3A_298, %while3A_296 : i1
        scf.condition(%and3A) %while3A_295, %while3A_296 : i32, i1
      } do {
      ^bb0(%while3A_295: i32, %while3A_296: i1):
        %get3A = arith.constant 1280 : index
        %get3A_297 = tpu.vector_load %arg6[%get3A] {strides = array<i32>} : memref<1360xf32, #tpu.memory_space<vmem>>, vector<16xf32>,
        %get3A_298 = arith.constant 1296 : index
        %get3A_299 = tpu.vector_load %arg6[%get3A_298] {strides = array<i32>} : memref<1360xf32, #tpu.memory_space<vmem>>, vector<16xf32>,
        %get3A_300 = arith.constant 1312 : index
        %get3A_301 = tpu.vector_load %arg6[%get3A_300] {strides = array<i32>} : memref<1360xf32, #tpu.memory_space<vmem>>, vector<16xf32>,
        %get3A_302 = arith.constant 1328 : index
        %get3A_303 = tpu.vector_load %arg6[%get3A_302] {strides = array<i32>} : memref<1360xf32, #tpu.memory_space<vmem>>, vector<16xf32>,
        %get3A_304 = arith.constant 1344 : index
        %get3A_305 = tpu.vector_load %arg6[%get3A_304] {strides = array<i32>} : memref<1360xf32, #tpu.memory_space<vmem>>, vector<16xf32>,
        %max3A = arith.maximumf %get3A_297, %get3A_299 : vector<16xf32>
        %max3A_306 = arith.maximumf %get3A_301, %get3A_303 : vector<16xf32>
        %max3A_307 = arith.maximumf %max3A, %max3A_306 : vector<16xf32>
        %max3A_308 = arith.maximumf %max3A_307, %get3A_305 : vector<16xf32>
        %reduce_max3A = arith.constant true
        %reduce_max3A_309 = vector.broadcast %reduce_max3A : i1 to vector<16xi1>
        %reduce_max3A_310 = tpu.scan <max>, %max3A_308 masked %reduce_max3A_309 : vector<16xf32>, vector<16xi1> -> vector<16xf32>
        %reduce_max3A_311 = vector.extract %reduce_max3A_310[15] : f32 from vector<16xf32>
        %gt3A = arith.constant 0.00999999977 : f32
        %gt3A_312 = arith.cmpf ogt, %reduce_max3A_311, %gt3A : f32
        %broadcast_in_dim3A_313 = vector.broadcast %reduce_max3A_311 : f32 to vector<16xf32>
        %eq3A = arith.cmpf oeq, %get3A_297, %broadcast_in_dim3A_313 : vector<16xf32>
        %all_reduce_ffs3A = tpu.all_reduce %eq3A {dim = 0 : i64, kind = #tpu.reduction_kind<find_first_set>} : vector<16xi1> -> vector<16xi32>
        %slice3A = vector.extract_strided_slice %all_reduce_ffs3A {offsets = [0], sizes = [1], strides = [1]} : vector<16xi32> to vector<1xi32>
        %squeeze3A = vector.extract %slice3A[0] : i32 from vector<1xi32>
        %lt3A_314 = arith.constant 16 : i32
        %lt3A_315 = arith.cmpi slt, %squeeze3A, %lt3A_314 : i32
        %add3A_316 = arith.constant 0 : i32
        %add3A_317 = arith.addi %add3A_316, %squeeze3A : i32
        %jit3A = arith.constant 9999 : i32
        %select_n3A = arith.select %lt3A_315, %add3A_317, %jit3A : i32
        %min3A = arith.constant 9999 : i32
        %min3A_318 = arith.minsi %min3A, %select_n3A : i32
        %eq3A_319 = arith.cmpf oeq, %get3A_299, %broadcast_in_dim3A_313 : vector<16xf32>
        %all_reduce_ffs3A_320 = tpu.all_reduce %eq3A_319 {dim = 0 : i64, kind = #tpu.reduction_kind<find_first_set>} : vector<16xi1> -> vector<16xi32>
        %slice3A_321 = vector.extract_strided_slice %all_reduce_ffs3A_320 {offsets = [0], sizes = [1], strides = [1]} : vector<16xi32> to vector<1xi32>
        %squeeze3A_322 = vector.extract %slice3A_321[0] : i32 from vector<1xi32>
        %lt3A_323 = arith.constant 16 : i32
        %lt3A_324 = arith.cmpi slt, %squeeze3A_322, %lt3A_323 : i32
        %add3A_325 = arith.constant 16 : i32
        %add3A_326 = arith.addi %add3A_325, %squeeze3A_322 : i32
        %jit3A_327 = arith.constant 9999 : i32
        %select_n3A_328 = arith.select %lt3A_324, %add3A_326, %jit3A_327 : i32
        %min3A_329 = arith.minsi %min3A_318, %select_n3A_328 : i32
        %eq3A_330 = arith.cmpf oeq, %get3A_301, %broadcast_in_dim3A_313 : vector<16xf32>
        %all_reduce_ffs3A_331 = tpu.all_reduce %eq3A_330 {dim = 0 : i64, kind = #tpu.reduction_kind<find_first_set>} : vector<16xi1> -> vector<16xi32>
        %slice3A_332 = vector.extract_strided_slice %all_reduce_ffs3A_331 {offsets = [0], sizes = [1], strides = [1]} : vector<16xi32> to vector<1xi32>
        %squeeze3A_333 = vector.extract %slice3A_332[0] : i32 from vector<1xi32>
        %lt3A_334 = arith.constant 16 : i32
        %lt3A_335 = arith.cmpi slt, %squeeze3A_333, %lt3A_334 : i32
        %add3A_336 = arith.constant 32 : i32
        %add3A_337 = arith.addi %add3A_336, %squeeze3A_333 : i32
        %jit3A_338 = arith.constant 9999 : i32
        %select_n3A_339 = arith.select %lt3A_335, %add3A_337, %jit3A_338 : i32
        %min3A_340 = arith.minsi %min3A_329, %select_n3A_339 : i32
        %eq3A_341 = arith.cmpf oeq, %get3A_303, %broadcast_in_dim3A_313 : vector<16xf32>
        %all_reduce_ffs3A_342 = tpu.all_reduce %eq3A_341 {dim = 0 : i64, kind = #tpu.reduction_kind<find_first_set>} : vector<16xi1> -> vector<16xi32>
        %slice3A_343 = vector.extract_strided_slice %all_reduce_ffs3A_342 {offsets = [0], sizes = [1], strides = [1]} : vector<16xi32> to vector<1xi32>
        %squeeze3A_344 = vector.extract %slice3A_343[0] : i32 from vector<1xi32>
        %lt3A_345 = arith.constant 16 : i32
        %lt3A_346 = arith.cmpi slt, %squeeze3A_344, %lt3A_345 : i32
        %add3A_347 = arith.constant 48 : i32
        %add3A_348 = arith.addi %add3A_347, %squeeze3A_344 : i32
        %jit3A_349 = arith.constant 9999 : i32
        %select_n3A_350 = arith.select %lt3A_346, %add3A_348, %jit3A_349 : i32
        %min3A_351 = arith.minsi %min3A_340, %select_n3A_350 : i32
        %eq3A_352 = arith.cmpf oeq, %get3A_305, %broadcast_in_dim3A_313 : vector<16xf32>
        %all_reduce_ffs3A_353 = tpu.all_reduce %eq3A_352 {dim = 0 : i64, kind = #tpu.reduction_kind<find_first_set>} : vector<16xi1> -> vector<16xi32>
        %slice3A_354 = vector.extract_strided_slice %all_reduce_ffs3A_353 {offsets = [0], sizes = [1], strides = [1]} : vector<16xi32> to vector<1xi32>
        %squeeze3A_355 = vector.extract %slice3A_354[0] : i32 from vector<1xi32>
        %lt3A_356 = arith.constant 16 : i32
        %lt3A_357 = arith.cmpi slt, %squeeze3A_355, %lt3A_356 : i32
        %add3A_358 = arith.constant 64 : i32
        %add3A_359 = arith.addi %add3A_358, %squeeze3A_355 : i32
        %jit3A_360 = arith.constant 9999 : i32
        %select_n3A_361 = arith.select %lt3A_357, %add3A_359, %jit3A_360 : i32
        %min3A_362 = arith.minsi %min3A_351, %select_n3A_361 : i32
        %mul3A_363 = arith.constant 16 : i32
        %mul3A_364 = arith.muli %min3A_362, %mul3A_363 : i32
        %get3A_365 = arith.index_cast %mul3A_364 : i32 to index
        %get3A_366 = tpu.vector_load %arg6[%get3A_365] {strides = array<i32>} : memref<1360xf32, #tpu.memory_space<vmem>>, vector<16xf32>,
        %eq3A_367 = arith.cmpf oeq, %get3A_366, %broadcast_in_dim3A_313 : vector<16xf32>
        %all_reduce_ffs3A_368 = tpu.all_reduce %eq3A_367 {dim = 0 : i64, kind = #tpu.reduction_kind<find_first_set>} : vector<16xi1> -> vector<16xi32>
        %slice3A_369 = vector.extract_strided_slice %all_reduce_ffs3A_368 {offsets = [0], sizes = [1], strides = [1]} : vector<16xi32> to vector<1xi32>
        %squeeze3A_370 = vector.extract %slice3A_369[0] : i32 from vector<1xi32>
        %mul3A_371 = arith.constant 256 : i32
        %mul3A_372 = arith.muli %min3A_362, %mul3A_371 : i32
        %mul3A_373 = arith.constant 16 : i32
        %mul3A_374 = arith.muli %squeeze3A_370, %mul3A_373 : i32
        %add3A_375 = arith.addi %mul3A_372, %mul3A_374 : i32
        %get3A_376 = arith.index_cast %add3A_375 : i32 to index
        %get3A_377 = tpu.vector_load %arg5[%get3A_376] {strides = array<i32>} : memref<102400xf32, #tpu.memory_space<vmem>>, vector<16xf32>,
        %eq3A_378 = arith.cmpf oeq, %get3A_377, %broadcast_in_dim3A_313 : vector<16xf32>
        %all_reduce_ffs3A_379 = tpu.all_reduce %eq3A_378 {dim = 0 : i64, kind = #tpu.reduction_kind<find_first_set>} : vector<16xi1> -> vector<16xi32>
        %slice3A_380 = vector.extract_strided_slice %all_reduce_ffs3A_379 {offsets = [0], sizes = [1], strides = [1]} : vector<16xi32> to vector<1xi32>
        %squeeze3A_381 = vector.extract %slice3A_380[0] : i32 from vector<1xi32>
        %add3A_382 = arith.addi %add3A_375, %squeeze3A_381 : i32
        %broadcast_in_dim3A_383 = vector.broadcast %add3A_382 : i32 to vector<16xi32>
        %lt3A_384 = arith.constant 4 : i32
        %lt3A_385 = vector.broadcast %lt3A_384 : i32 to vector<16xi32>
        %lt3A_386 = arith.cmpi slt, %iota3A, %lt3A_385 : vector<16xi32>
        %jit3A_387 = arith.constant 0 : i32
        %broadcast_in_dim3A_388 = vector.broadcast %jit3A_387 : i32 to vector<16xi32>
        %select_n3A_389 = arith.select %lt3A_386, %iota3A, %broadcast_in_dim3A_388 : vector<16xi1>, vector<16xi32>
        %add3A_390 = arith.constant 1 : i32
        %add3A_391 = vector.broadcast %add3A_390 : i32 to vector<16xi32>
        %add3A_392 = arith.addi %select_n3A_389, %add3A_391 : vector<16xi32>
        %mul3A_393 = arith.constant 20480 : i32
        %mul3A_394 = vector.broadcast %mul3A_393 : i32 to vector<16xi32>
        %mul3A_395 = arith.muli %add3A_392, %mul3A_394 : vector<16xi32>
        %add3A_396 = arith.addi %mul3A_395, %broadcast_in_dim3A_383 : vector<16xi32>
        %gather3A = tpu.vector_load_idx %arg5[%add3A_396] masked %lt3A_386 : memref<102400xf32, #tpu.memory_space<vmem>>[vector<16xi32>], vector<16xf32>, vector<16xi1>
        %slice3A_397 = vector.extract_strided_slice %gather3A {offsets = [0], sizes = [1], strides = [1]} : vector<16xf32> to vector<1xf32>
        %squeeze3A_398 = vector.extract %slice3A_397[0] : f32 from vector<1xf32>
        %broadcast_in_dim3A_399 = vector.broadcast %squeeze3A_398 : f32 to vector<16xf32>
        %slice3A_400 = vector.extract_strided_slice %gather3A {offsets = [1], sizes = [1], strides = [1]} : vector<16xf32> to vector<1xf32>
        %squeeze3A_401 = vector.extract %slice3A_400[0] : f32 from vector<1xf32>
        %broadcast_in_dim3A_402 = vector.broadcast %squeeze3A_401 : f32 to vector<16xf32>
        %slice3A_403 = vector.extract_strided_slice %gather3A {offsets = [2], sizes = [1], strides = [1]} : vector<16xf32> to vector<1xf32>
        %squeeze3A_404 = vector.extract %slice3A_403[0] : f32 from vector<1xf32>
        %broadcast_in_dim3A_405 = vector.broadcast %squeeze3A_404 : f32 to vector<16xf32>
        %slice3A_406 = vector.extract_strided_slice %gather3A {offsets = [3], sizes = [1], strides = [1]} : vector<16xf32> to vector<1xf32>
        %squeeze3A_407 = vector.extract %slice3A_406[0] : f32 from vector<1xf32>
        %broadcast_in_dim3A_408 = vector.broadcast %squeeze3A_407 : f32 to vector<16xf32>
        %sub3A = arith.subf %broadcast_in_dim3A_405, %broadcast_in_dim3A_399 : vector<16xf32>
        %max3A_409 = arith.constant 0.000000e+00 : f32
        %max3A_410 = vector.broadcast %max3A_409 : f32 to vector<16xf32>
        %max3A_411 = arith.maximumf %sub3A, %max3A_410 : vector<16xf32>
        %sub3A_412 = arith.subf %broadcast_in_dim3A_408, %broadcast_in_dim3A_402 : vector<16xf32>
        %max3A_413 = arith.constant 0.000000e+00 : f32
        %max3A_414 = vector.broadcast %max3A_413 : f32 to vector<16xf32>
        %max3A_415 = arith.maximumf %sub3A_412, %max3A_414 : vector<16xf32>
        %mul3A_416 = arith.mulf %max3A_411, %max3A_415 : vector<16xf32>
        %convert_element_type3A_417 = arith.extui %gt3A_312 : i1 to i32
        %cond3A_418 = arith.constant 0 : i32
        %cond3A_419 = arith.cmpi ne, %convert_element_type3A_417, %cond3A_418 : i32
        scf.if %cond3A_419 {
          %eq3A_570 = arith.constant 0 : i32
          %eq3A_571 = vector.broadcast %eq3A_570 : i32 to vector<16xi32>
          %eq3A_572 = arith.cmpi eq, %iota3A, %eq3A_571 : vector<16xi32>
          %broadcast_in_dim3A_573 = arith.constant -1.000000e+30 : f32
          %broadcast_in_dim3A_574 = vector.broadcast %broadcast_in_dim3A_573 : f32 to vector<16xf32>
          tpu.vector_store_idx %arg5[%broadcast_in_dim3A_383], %broadcast_in_dim3A_574 masked %eq3A_572 : memref<102400xf32, #tpu.memory_space<vmem>>[vector<16xi32>], vector<16xf32>, vector<16xi1>
          %eq3A_575 = vector.broadcast %squeeze3A_381 : i32 to vector<16xi32>
          %eq3A_576 = arith.cmpi eq, %iota3A, %eq3A_575 : vector<16xi32>
          %jit3A_577 = arith.constant -1.000000e+30 : f32
          %broadcast_in_dim3A_578 = vector.broadcast %jit3A_577 : f32 to vector<16xf32>
          %select_n3A_579 = arith.select %eq3A_576, %broadcast_in_dim3A_578, %get3A_377 : vector<16xi1>, vector<16xf32>
          %reduce_max3A_580 = arith.constant true
          %reduce_max3A_581 = vector.broadcast %reduce_max3A_580 : i1 to vector<16xi1>
          %reduce_max3A_582 = tpu.scan <max>, %select_n3A_579 masked %reduce_max3A_581 : vector<16xf32>, vector<16xi1> -> vector<16xf32>
          %reduce_max3A_583 = vector.extract %reduce_max3A_582[15] : f32 from vector<16xf32>
          %broadcast_in_dim3A_584 = vector.broadcast %reduce_max3A_583 : f32 to vector<16xf32>
          %mul3A_585 = arith.constant 16 : i32
          %mul3A_586 = arith.muli %min3A_362, %mul3A_585 : i32
          %add3A_587 = arith.addi %mul3A_586, %squeeze3A_370 : i32
          %broadcast_in_dim3A_588 = vector.broadcast %add3A_587 : i32 to vector<16xi32>
          tpu.vector_store_idx %arg6[%broadcast_in_dim3A_588], %broadcast_in_dim3A_584 masked %eq3A_572 : memref<1360xf32, #tpu.memory_space<vmem>>[vector<16xi32>], vector<16xf32>, vector<16xi1>
          %eq3A_589 = vector.broadcast %squeeze3A_370 : i32 to vector<16xi32>
          %eq3A_590 = arith.cmpi eq, %iota3A, %eq3A_589 : vector<16xi32>
          %select_n3A_591 = arith.select %eq3A_590, %broadcast_in_dim3A_584, %get3A_366 : vector<16xi1>, vector<16xf32>
          %add3A_592 = arith.constant 1280 : i32
          %add3A_593 = arith.addi %add3A_592, %min3A_362 : i32
          %broadcast_in_dim3A_594 = vector.broadcast %add3A_593 : i32 to vector<16xi32>
          %reduce_max3A_595 = arith.constant true
          %reduce_max3A_596 = vector.broadcast %reduce_max3A_595 : i1 to vector<16xi1>
          %reduce_max3A_597 = tpu.scan <max>, %select_n3A_591 masked %reduce_max3A_596 : vector<16xf32>, vector<16xi1> -> vector<16xf32>
          %reduce_max3A_598 = vector.extract %reduce_max3A_597[15] : f32 from vector<16xf32>
          %broadcast_in_dim3A_599 = vector.broadcast %reduce_max3A_598 : f32 to vector<16xf32>
          tpu.vector_store_idx %arg6[%broadcast_in_dim3A_594], %broadcast_in_dim3A_599 masked %eq3A_572 : memref<1360xf32, #tpu.memory_space<vmem>>[vector<16xi32>], vector<16xf32>, vector<16xi1>
        } else {
        }
        %get3A_420 = arith.constant 0 : index
        %get3A_421 = tpu.vector_load %arg7[%get3A_420] {strides = array<i32>} : memref<1040xf32, #tpu.memory_space<vmem>>, vector<16xf32>,
        %get3A_422 = arith.constant 208 : index
        %get3A_423 = tpu.vector_load %arg7[%get3A_422] {strides = array<i32>} : memref<1040xf32, #tpu.memory_space<vmem>>, vector<16xf32>,
        %get3A_424 = arith.constant 416 : index
        %get3A_425 = tpu.vector_load %arg7[%get3A_424] {strides = array<i32>} : memref<1040xf32, #tpu.memory_space<vmem>>, vector<16xf32>,
        %get3A_426 = arith.constant 624 : index
        %get3A_427 = tpu.vector_load %arg7[%get3A_426] {strides = array<i32>} : memref<1040xf32, #tpu.memory_space<vmem>>, vector<16xf32>,
        %get3A_428 = arith.constant 832 : index
        %get3A_429 = tpu.vector_load %arg7[%get3A_428] {strides = array<i32>} : memref<1040xf32, #tpu.memory_space<vmem>>, vector<16xf32>,
        %min3A_430 = arith.minimumf %broadcast_in_dim3A_405, %get3A_425 : vector<16xf32>
        %max3A_431 = arith.maximumf %broadcast_in_dim3A_399, %get3A_421 : vector<16xf32>
        %sub3A_432 = arith.subf %min3A_430, %max3A_431 : vector<16xf32>
        %max3A_433 = arith.constant 0.000000e+00 : f32
        %max3A_434 = vector.broadcast %max3A_433 : f32 to vector<16xf32>
        %max3A_435 = arith.maximumf %sub3A_432, %max3A_434 : vector<16xf32>
        %min3A_436 = arith.minimumf %broadcast_in_dim3A_408, %get3A_427 : vector<16xf32>
        %max3A_437 = arith.maximumf %broadcast_in_dim3A_402, %get3A_423 : vector<16xf32>
        %sub3A_438 = arith.subf %min3A_436, %max3A_437 : vector<16xf32>
        %max3A_439 = arith.constant 0.000000e+00 : f32
        %max3A_440 = vector.broadcast %max3A_439 : f32 to vector<16xf32>
        %max3A_441 = arith.maximumf %sub3A_438, %max3A_440 : vector<16xf32>
        %mul3A_442 = arith.mulf %max3A_435, %max3A_441 : vector<16xf32>
        %add3A_443 = arith.addf %mul3A_416, %get3A_429 : vector<16xf32>
        %sub3A_444 = arith.subf %add3A_443, %mul3A_442 : vector<16xf32>
        %add3A_445 = arith.constant 9.99999996E-13 : f32
        %add3A_446 = vector.broadcast %add3A_445 : f32 to vector<16xf32>
        %add3A_447 = arith.addf %sub3A_444, %add3A_446 : vector<16xf32>
        %div3A = arith.divf %mul3A_442, %add3A_447 : vector<16xf32>
        %get3A_448 = arith.constant 16 : index
        %get3A_449 = tpu.vector_load %arg7[%get3A_448] {strides = array<i32>} : memref<1040xf32, #tpu.memory_space<vmem>>, vector<16xf32>,
        %get3A_450 = arith.constant 224 : index
        %get3A_451 = tpu.vector_load %arg7[%get3A_450] {strides = array<i32>} : memref<1040xf32, #tpu.memory_space<vmem>>, vector<16xf32>,
        %get3A_452 = arith.constant 432 : index
        %get3A_453 = tpu.vector_load %arg7[%get3A_452] {strides = array<i32>} : memref<1040xf32, #tpu.memory_space<vmem>>, vector<16xf32>,
        %get3A_454 = arith.constant 640 : index
        %get3A_455 = tpu.vector_load %arg7[%get3A_454] {strides = array<i32>} : memref<1040xf32, #tpu.memory_space<vmem>>, vector<16xf32>,
        %get3A_456 = arith.constant 848 : index
        %get3A_457 = tpu.vector_load %arg7[%get3A_456] {strides = array<i32>} : memref<1040xf32, #tpu.memory_space<vmem>>, vector<16xf32>,
        %min3A_458 = arith.minimumf %broadcast_in_dim3A_405, %get3A_453 : vector<16xf32>
        %max3A_459 = arith.maximumf %broadcast_in_dim3A_399, %get3A_449 : vector<16xf32>
        %sub3A_460 = arith.subf %min3A_458, %max3A_459 : vector<16xf32>
        %max3A_461 = arith.constant 0.000000e+00 : f32
        %max3A_462 = vector.broadcast %max3A_461 : f32 to vector<16xf32>
        %max3A_463 = arith.maximumf %sub3A_460, %max3A_462 : vector<16xf32>
        %min3A_464 = arith.minimumf %broadcast_in_dim3A_408, %get3A_455 : vector<16xf32>
        %max3A_465 = arith.maximumf %broadcast_in_dim3A_402, %get3A_451 : vector<16xf32>
        %sub3A_466 = arith.subf %min3A_464, %max3A_465 : vector<16xf32>
        %max3A_467 = arith.constant 0.000000e+00 : f32
        %max3A_468 = vector.broadcast %max3A_467 : f32 to vector<16xf32>
        %max3A_469 = arith.maximumf %sub3A_466, %max3A_468 : vector<16xf32>
        %mul3A_470 = arith.mulf %max3A_463, %max3A_469 : vector<16xf32>
        %add3A_471 = arith.addf %mul3A_416, %get3A_457 : vector<16xf32>
        %sub3A_472 = arith.subf %add3A_471, %mul3A_470 : vector<16xf32>
        %add3A_473 = arith.constant 9.99999996E-13 : f32
        %add3A_474 = vector.broadcast %add3A_473 : f32 to vector<16xf32>
        %add3A_475 = arith.addf %sub3A_472, %add3A_474 : vector<16xf32>
        %div3A_476 = arith.divf %mul3A_470, %add3A_475 : vector<16xf32>
        %get3A_477 = arith.constant 32 : index
        %get3A_478 = tpu.vector_load %arg7[%get3A_477] {strides = array<i32>} : memref<1040xf32, #tpu.memory_space<vmem>>, vector<16xf32>,
        %get3A_479 = arith.constant 240 : index
        %get3A_480 = tpu.vector_load %arg7[%get3A_479] {strides = array<i32>} : memref<1040xf32, #tpu.memory_space<vmem>>, vector<16xf32>,
        %get3A_481 = arith.constant 448 : index
        %get3A_482 = tpu.vector_load %arg7[%get3A_481] {strides = array<i32>} : memref<1040xf32, #tpu.memory_space<vmem>>, vector<16xf32>,
        %get3A_483 = arith.constant 656 : index
        %get3A_484 = tpu.vector_load %arg7[%get3A_483] {strides = array<i32>} : memref<1040xf32, #tpu.memory_space<vmem>>, vector<16xf32>,
        %get3A_485 = arith.constant 864 : index
        %get3A_486 = tpu.vector_load %arg7[%get3A_485] {strides = array<i32>} : memref<1040xf32, #tpu.memory_space<vmem>>, vector<16xf32>,
        %min3A_487 = arith.minimumf %broadcast_in_dim3A_405, %get3A_482 : vector<16xf32>
        %max3A_488 = arith.maximumf %broadcast_in_dim3A_399, %get3A_478 : vector<16xf32>
        %sub3A_489 = arith.subf %min3A_487, %max3A_488 : vector<16xf32>
        %max3A_490 = arith.constant 0.000000e+00 : f32
        %max3A_491 = vector.broadcast %max3A_490 : f32 to vector<16xf32>
        %max3A_492 = arith.maximumf %sub3A_489, %max3A_491 : vector<16xf32>
        %min3A_493 = arith.minimumf %broadcast_in_dim3A_408, %get3A_484 : vector<16xf32>
        %max3A_494 = arith.maximumf %broadcast_in_dim3A_402, %get3A_480 : vector<16xf32>
        %sub3A_495 = arith.subf %min3A_493, %max3A_494 : vector<16xf32>
        %max3A_496 = arith.constant 0.000000e+00 : f32
        %max3A_497 = vector.broadcast %max3A_496 : f32 to vector<16xf32>
        %max3A_498 = arith.maximumf %sub3A_495, %max3A_497 : vector<16xf32>
        %mul3A_499 = arith.mulf %max3A_492, %max3A_498 : vector<16xf32>
        %add3A_500 = arith.addf %mul3A_416, %get3A_486 : vector<16xf32>
        %sub3A_501 = arith.subf %add3A_500, %mul3A_499 : vector<16xf32>
        %add3A_502 = arith.constant 9.99999996E-13 : f32
        %add3A_503 = vector.broadcast %add3A_502 : f32 to vector<16xf32>
        %add3A_504 = arith.addf %sub3A_501, %add3A_503 : vector<16xf32>
        %div3A_505 = arith.divf %mul3A_499, %add3A_504 : vector<16xf32>
        %get3A_506 = arith.constant 48 : index
        %get3A_507 = tpu.vector_load %arg7[%get3A_506] {strides = array<i32>} : memref<1040xf32, #tpu.memory_space<vmem>>, vector<16xf32>,
        %get3A_508 = arith.constant 256 : index
        %get3A_509 = tpu.vector_load %arg7[%get3A_508] {strides = array<i32>} : memref<1040xf32, #tpu.memory_space<vmem>>, vector<16xf32>,
        %get3A_510 = arith.constant 464 : index
        %get3A_511 = tpu.vector_load %arg7[%get3A_510] {strides = array<i32>} : memref<1040xf32, #tpu.memory_space<vmem>>, vector<16xf32>,
        %get3A_512 = arith.constant 672 : index
        %get3A_513 = tpu.vector_load %arg7[%get3A_512] {strides = array<i32>} : memref<1040xf32, #tpu.memory_space<vmem>>, vector<16xf32>,
        %get3A_514 = arith.constant 880 : index
        %get3A_515 = tpu.vector_load %arg7[%get3A_514] {strides = array<i32>} : memref<1040xf32, #tpu.memory_space<vmem>>, vector<16xf32>,
        %min3A_516 = arith.minimumf %broadcast_in_dim3A_405, %get3A_511 : vector<16xf32>
        %max3A_517 = arith.maximumf %broadcast_in_dim3A_399, %get3A_507 : vector<16xf32>
        %sub3A_518 = arith.subf %min3A_516, %max3A_517 : vector<16xf32>
        %max3A_519 = arith.constant 0.000000e+00 : f32
        %max3A_520 = vector.broadcast %max3A_519 : f32 to vector<16xf32>
        %max3A_521 = arith.maximumf %sub3A_518, %max3A_520 : vector<16xf32>
        %min3A_522 = arith.minimumf %broadcast_in_dim3A_408, %get3A_513 : vector<16xf32>
        %max3A_523 = arith.maximumf %broadcast_in_dim3A_402, %get3A_509 : vector<16xf32>
        %sub3A_524 = arith.subf %min3A_522, %max3A_523 : vector<16xf32>
        %max3A_525 = arith.constant 0.000000e+00 : f32
        %max3A_526 = vector.broadcast %max3A_525 : f32 to vector<16xf32>
        %max3A_527 = arith.maximumf %sub3A_524, %max3A_526 : vector<16xf32>
        %mul3A_528 = arith.mulf %max3A_521, %max3A_527 : vector<16xf32>
        %add3A_529 = arith.addf %mul3A_416, %get3A_515 : vector<16xf32>
        %sub3A_530 = arith.subf %add3A_529, %mul3A_528 : vector<16xf32>
        %add3A_531 = arith.constant 9.99999996E-13 : f32
        %add3A_532 = vector.broadcast %add3A_531 : f32 to vector<16xf32>
        %add3A_533 = arith.addf %sub3A_530, %add3A_532 : vector<16xf32>
        %div3A_534 = arith.divf %mul3A_528, %add3A_533 : vector<16xf32>
        %max3A_535 = arith.maximumf %div3A, %div3A_476 : vector<16xf32>
        %max3A_536 = arith.maximumf %div3A_505, %div3A_534 : vector<16xf32>
        %max3A_537 = arith.maximumf %max3A_535, %max3A_536 : vector<16xf32>
        %swap3A_538 = arith.constant 0 : index
        %swap3A_539 = tpu.vector_load %arg9[%swap3A_538] {strides = array<i32>} : memref<16xf32, #tpu.memory_space<vmem>>, vector<16xf32>,
        tpu.vector_store %arg9[%swap3A_538], %max3A_537 {strides = array<i32>} : memref<16xf32, #tpu.memory_space<vmem>>, vector<16xf32>,
        %gt3A_540 = arith.constant 64 : i32
        %gt3A_541 = arith.cmpi sgt, %while3A_295, %gt3A_540 : i32
        %convert_element_type3A_542 = arith.extui %gt3A_541 : i1 to i32
        %cond3A_543 = arith.constant 0 : i32
        %cond3A_544 = arith.cmpi ne, %convert_element_type3A_542, %cond3A_543 : i32
        scf.if %cond3A_544 {
          %get3A_570 = arith.constant 0 : index
          %get3A_571 = tpu.vector_load %arg9[%get3A_570] {strides = array<i32>} : memref<16xf32, #tpu.memory_space<vmem>>, vector<16xf32>,
          %get3A_572 = arith.constant 64 : index
          %get3A_573 = tpu.vector_load %arg7[%get3A_572] {strides = array<i32>} : memref<1040xf32, #tpu.memory_space<vmem>>, vector<16xf32>,
          %get3A_574 = arith.constant 272 : index
          %get3A_575 = tpu.vector_load %arg7[%get3A_574] {strides = array<i32>} : memref<1040xf32, #tpu.memory_space<vmem>>, vector<16xf32>,
          %get3A_576 = arith.constant 480 : index
          %get3A_577 = tpu.vector_load %arg7[%get3A_576] {strides = array<i32>} : memref<1040xf32, #tpu.memory_space<vmem>>, vector<16xf32>,
          %get3A_578 = arith.constant 688 : index
          %get3A_579 = tpu.vector_load %arg7[%get3A_578] {strides = array<i32>} : memref<1040xf32, #tpu.memory_space<vmem>>, vector<16xf32>,
          %get3A_580 = arith.constant 896 : index
          %get3A_581 = tpu.vector_load %arg7[%get3A_580] {strides = array<i32>} : memref<1040xf32, #tpu.memory_space<vmem>>, vector<16xf32>,
          %min3A_582 = arith.minimumf %broadcast_in_dim3A_405, %get3A_577 : vector<16xf32>
          %max3A_583 = arith.maximumf %broadcast_in_dim3A_399, %get3A_573 : vector<16xf32>
          %sub3A_584 = arith.subf %min3A_582, %max3A_583 : vector<16xf32>
          %max3A_585 = arith.constant 0.000000e+00 : f32
          %max3A_586 = vector.broadcast %max3A_585 : f32 to vector<16xf32>
          %max3A_587 = arith.maximumf %sub3A_584, %max3A_586 : vector<16xf32>
          %min3A_588 = arith.minimumf %broadcast_in_dim3A_408, %get3A_579 : vector<16xf32>
          %max3A_589 = arith.maximumf %broadcast_in_dim3A_402, %get3A_575 : vector<16xf32>
          %sub3A_590 = arith.subf %min3A_588, %max3A_589 : vector<16xf32>
          %max3A_591 = arith.constant 0.000000e+00 : f32
          %max3A_592 = vector.broadcast %max3A_591 : f32 to vector<16xf32>
          %max3A_593 = arith.maximumf %sub3A_590, %max3A_592 : vector<16xf32>
          %mul3A_594 = arith.mulf %max3A_587, %max3A_593 : vector<16xf32>
          %add3A_595 = arith.addf %mul3A_416, %get3A_581 : vector<16xf32>
          %sub3A_596 = arith.subf %add3A_595, %mul3A_594 : vector<16xf32>
          %add3A_597 = arith.constant 9.99999996E-13 : f32
          %add3A_598 = vector.broadcast %add3A_597 : f32 to vector<16xf32>
          %add3A_599 = arith.addf %sub3A_596, %add3A_598 : vector<16xf32>
          %div3A_600 = arith.divf %mul3A_594, %add3A_599 : vector<16xf32>
          %get3A_601 = arith.constant 80 : index
          %get3A_602 = tpu.vector_load %arg7[%get3A_601] {strides = array<i32>} : memref<1040xf32, #tpu.memory_space<vmem>>, vector<16xf32>,
          %get3A_603 = arith.constant 288 : index
          %get3A_604 = tpu.vector_load %arg7[%get3A_603] {strides = array<i32>} : memref<1040xf32, #tpu.memory_space<vmem>>, vector<16xf32>,
          %get3A_605 = arith.constant 496 : index
          %get3A_606 = tpu.vector_load %arg7[%get3A_605] {strides = array<i32>} : memref<1040xf32, #tpu.memory_space<vmem>>, vector<16xf32>,
          %get3A_607 = arith.constant 704 : index
          %get3A_608 = tpu.vector_load %arg7[%get3A_607] {strides = array<i32>} : memref<1040xf32, #tpu.memory_space<vmem>>, vector<16xf32>,
          %get3A_609 = arith.constant 912 : index
          %get3A_610 = tpu.vector_load %arg7[%get3A_609] {strides = array<i32>} : memref<1040xf32, #tpu.memory_space<vmem>>, vector<16xf32>,
          %min3A_611 = arith.minimumf %broadcast_in_dim3A_405, %get3A_606 : vector<16xf32>
          %max3A_612 = arith.maximumf %broadcast_in_dim3A_399, %get3A_602 : vector<16xf32>
          %sub3A_613 = arith.subf %min3A_611, %max3A_612 : vector<16xf32>
          %max3A_614 = arith.constant 0.000000e+00 : f32
          %max3A_615 = vector.broadcast %max3A_614 : f32 to vector<16xf32>
          %max3A_616 = arith.maximumf %sub3A_613, %max3A_615 : vector<16xf32>
          %min3A_617 = arith.minimumf %broadcast_in_dim3A_408, %get3A_608 : vector<16xf32>
          %max3A_618 = arith.maximumf %broadcast_in_dim3A_402, %get3A_604 : vector<16xf32>
          %sub3A_619 = arith.subf %min3A_617, %max3A_618 : vector<16xf32>
          %max3A_620 = arith.constant 0.000000e+00 : f32
          %max3A_621 = vector.broadcast %max3A_620 : f32 to vector<16xf32>
          %max3A_622 = arith.maximumf %sub3A_619, %max3A_621 : vector<16xf32>
          %mul3A_623 = arith.mulf %max3A_616, %max3A_622 : vector<16xf32>
          %add3A_624 = arith.addf %mul3A_416, %get3A_610 : vector<16xf32>
          %sub3A_625 = arith.subf %add3A_624, %mul3A_623 : vector<16xf32>
          %add3A_626 = arith.constant 9.99999996E-13 : f32
          %add3A_627 = vector.broadcast %add3A_626 : f32 to vector<16xf32>
          %add3A_628 = arith.addf %sub3A_625, %add3A_627 : vector<16xf32>
          %div3A_629 = arith.divf %mul3A_623, %add3A_628 : vector<16xf32>
          %get3A_630 = arith.constant 96 : index
          %get3A_631 = tpu.vector_load %arg7[%get3A_630] {strides = array<i32>} : memref<1040xf32, #tpu.memory_space<vmem>>, vector<16xf32>,
          %get3A_632 = arith.constant 304 : index
          %get3A_633 = tpu.vector_load %arg7[%get3A_632] {strides = array<i32>} : memref<1040xf32, #tpu.memory_space<vmem>>, vector<16xf32>,
          %get3A_634 = arith.constant 512 : index
          %get3A_635 = tpu.vector_load %arg7[%get3A_634] {strides = array<i32>} : memref<1040xf32, #tpu.memory_space<vmem>>, vector<16xf32>,
          %get3A_636 = arith.constant 720 : index
          %get3A_637 = tpu.vector_load %arg7[%get3A_636] {strides = array<i32>} : memref<1040xf32, #tpu.memory_space<vmem>>, vector<16xf32>,
          %get3A_638 = arith.constant 928 : index
          %get3A_639 = tpu.vector_load %arg7[%get3A_638] {strides = array<i32>} : memref<1040xf32, #tpu.memory_space<vmem>>, vector<16xf32>,
          %min3A_640 = arith.minimumf %broadcast_in_dim3A_405, %get3A_635 : vector<16xf32>
          %max3A_641 = arith.maximumf %broadcast_in_dim3A_399, %get3A_631 : vector<16xf32>
          %sub3A_642 = arith.subf %min3A_640, %max3A_641 : vector<16xf32>
          %max3A_643 = arith.constant 0.000000e+00 : f32
          %max3A_644 = vector.broadcast %max3A_643 : f32 to vector<16xf32>
          %max3A_645 = arith.maximumf %sub3A_642, %max3A_644 : vector<16xf32>
          %min3A_646 = arith.minimumf %broadcast_in_dim3A_408, %get3A_637 : vector<16xf32>
          %max3A_647 = arith.maximumf %broadcast_in_dim3A_402, %get3A_633 : vector<16xf32>
          %sub3A_648 = arith.subf %min3A_646, %max3A_647 : vector<16xf32>
          %max3A_649 = arith.constant 0.000000e+00 : f32
          %max3A_650 = vector.broadcast %max3A_649 : f32 to vector<16xf32>
          %max3A_651 = arith.maximumf %sub3A_648, %max3A_650 : vector<16xf32>
          %mul3A_652 = arith.mulf %max3A_645, %max3A_651 : vector<16xf32>
          %add3A_653 = arith.addf %mul3A_416, %get3A_639 : vector<16xf32>
          %sub3A_654 = arith.subf %add3A_653, %mul3A_652 : vector<16xf32>
          %add3A_655 = arith.constant 9.99999996E-13 : f32
          %add3A_656 = vector.broadcast %add3A_655 : f32 to vector<16xf32>
          %add3A_657 = arith.addf %sub3A_654, %add3A_656 : vector<16xf32>
          %div3A_658 = arith.divf %mul3A_652, %add3A_657 : vector<16xf32>
          %max3A_659 = arith.maximumf %div3A_600, %div3A_629 : vector<16xf32>
          %max3A_660 = arith.maximumf %max3A_659, %div3A_658 : vector<16xf32>
          %max3A_661 = arith.maximumf %get3A_571, %max3A_660 : vector<16xf32>
          %swap3A_662 = arith.constant 0 : index
          %swap3A_663 = tpu.vector_load %arg9[%swap3A_662] {strides = array<i32>} : memref<16xf32, #tpu.memory_space<vmem>>, vector<16xf32>,
          tpu.vector_store %arg9[%swap3A_662], %max3A_661 {strides = array<i32>} : memref<16xf32, #tpu.memory_space<vmem>>, vector<16xf32>,
        } else {
        }
        %gt3A_545 = arith.constant 112 : i32
        %gt3A_546 = arith.cmpi sgt, %while3A_295, %gt3A_545 : i32
        %convert_element_type3A_547 = arith.extui %gt3A_546 : i1 to i32
        %cond3A_548 = arith.constant 0 : i32
        %cond3A_549 = arith.cmpi ne, %convert_element_type3A_547, %cond3A_548 : i32
        scf.if %cond3A_549 {
          %get3A_570 = arith.constant 0 : index
          %get3A_571 = tpu.vector_load %arg9[%get3A_570] {strides = array<i32>} : memref<16xf32, #tpu.memory_space<vmem>>, vector<16xf32>,
          %get3A_572 = arith.constant 112 : index
          %get3A_573 = tpu.vector_load %arg7[%get3A_572] {strides = array<i32>} : memref<1040xf32, #tpu.memory_space<vmem>>, vector<16xf32>,
          %get3A_574 = arith.constant 320 : index
          %get3A_575 = tpu.vector_load %arg7[%get3A_574] {strides = array<i32>} : memref<1040xf32, #tpu.memory_space<vmem>>, vector<16xf32>,
          %get3A_576 = arith.constant 528 : index
          %get3A_577 = tpu.vector_load %arg7[%get3A_576] {strides = array<i32>} : memref<1040xf32, #tpu.memory_space<vmem>>, vector<16xf32>,
          %get3A_578 = arith.constant 736 : index
          %get3A_579 = tpu.vector_load %arg7[%get3A_578] {strides = array<i32>} : memref<1040xf32, #tpu.memory_space<vmem>>, vector<16xf32>,
          %get3A_580 = arith.constant 944 : index
          %get3A_581 = tpu.vector_load %arg7[%get3A_580] {strides = array<i32>} : memref<1040xf32, #tpu.memory_space<vmem>>, vector<16xf32>,
          %min3A_582 = arith.minimumf %broadcast_in_dim3A_405, %get3A_577 : vector<16xf32>
          %max3A_583 = arith.maximumf %broadcast_in_dim3A_399, %get3A_573 : vector<16xf32>
          %sub3A_584 = arith.subf %min3A_582, %max3A_583 : vector<16xf32>
          %max3A_585 = arith.constant 0.000000e+00 : f32
          %max3A_586 = vector.broadcast %max3A_585 : f32 to vector<16xf32>
          %max3A_587 = arith.maximumf %sub3A_584, %max3A_586 : vector<16xf32>
          %min3A_588 = arith.minimumf %broadcast_in_dim3A_408, %get3A_579 : vector<16xf32>
          %max3A_589 = arith.maximumf %broadcast_in_dim3A_402, %get3A_575 : vector<16xf32>
          %sub3A_590 = arith.subf %min3A_588, %max3A_589 : vector<16xf32>
          %max3A_591 = arith.constant 0.000000e+00 : f32
          %max3A_592 = vector.broadcast %max3A_591 : f32 to vector<16xf32>
          %max3A_593 = arith.maximumf %sub3A_590, %max3A_592 : vector<16xf32>
          %mul3A_594 = arith.mulf %max3A_587, %max3A_593 : vector<16xf32>
          %add3A_595 = arith.addf %mul3A_416, %get3A_581 : vector<16xf32>
          %sub3A_596 = arith.subf %add3A_595, %mul3A_594 : vector<16xf32>
          %add3A_597 = arith.constant 9.99999996E-13 : f32
          %add3A_598 = vector.broadcast %add3A_597 : f32 to vector<16xf32>
          %add3A_599 = arith.addf %sub3A_596, %add3A_598 : vector<16xf32>
          %div3A_600 = arith.divf %mul3A_594, %add3A_599 : vector<16xf32>
          %get3A_601 = arith.constant 128 : index
          %get3A_602 = tpu.vector_load %arg7[%get3A_601] {strides = array<i32>} : memref<1040xf32, #tpu.memory_space<vmem>>, vector<16xf32>,
          %get3A_603 = arith.constant 336 : index
          %get3A_604 = tpu.vector_load %arg7[%get3A_603] {strides = array<i32>} : memref<1040xf32, #tpu.memory_space<vmem>>, vector<16xf32>,
          %get3A_605 = arith.constant 544 : index
          %get3A_606 = tpu.vector_load %arg7[%get3A_605] {strides = array<i32>} : memref<1040xf32, #tpu.memory_space<vmem>>, vector<16xf32>,
          %get3A_607 = arith.constant 752 : index
          %get3A_608 = tpu.vector_load %arg7[%get3A_607] {strides = array<i32>} : memref<1040xf32, #tpu.memory_space<vmem>>, vector<16xf32>,
          %get3A_609 = arith.constant 960 : index
          %get3A_610 = tpu.vector_load %arg7[%get3A_609] {strides = array<i32>} : memref<1040xf32, #tpu.memory_space<vmem>>, vector<16xf32>,
          %min3A_611 = arith.minimumf %broadcast_in_dim3A_405, %get3A_606 : vector<16xf32>
          %max3A_612 = arith.maximumf %broadcast_in_dim3A_399, %get3A_602 : vector<16xf32>
          %sub3A_613 = arith.subf %min3A_611, %max3A_612 : vector<16xf32>
          %max3A_614 = arith.constant 0.000000e+00 : f32
          %max3A_615 = vector.broadcast %max3A_614 : f32 to vector<16xf32>
          %max3A_616 = arith.maximumf %sub3A_613, %max3A_615 : vector<16xf32>
          %min3A_617 = arith.minimumf %broadcast_in_dim3A_408, %get3A_608 : vector<16xf32>
          %max3A_618 = arith.maximumf %broadcast_in_dim3A_402, %get3A_604 : vector<16xf32>
          %sub3A_619 = arith.subf %min3A_617, %max3A_618 : vector<16xf32>
          %max3A_620 = arith.constant 0.000000e+00 : f32
          %max3A_621 = vector.broadcast %max3A_620 : f32 to vector<16xf32>
          %max3A_622 = arith.maximumf %sub3A_619, %max3A_621 : vector<16xf32>
          %mul3A_623 = arith.mulf %max3A_616, %max3A_622 : vector<16xf32>
          %add3A_624 = arith.addf %mul3A_416, %get3A_610 : vector<16xf32>
          %sub3A_625 = arith.subf %add3A_624, %mul3A_623 : vector<16xf32>
          %add3A_626 = arith.constant 9.99999996E-13 : f32
          %add3A_627 = vector.broadcast %add3A_626 : f32 to vector<16xf32>
          %add3A_628 = arith.addf %sub3A_625, %add3A_627 : vector<16xf32>
          %div3A_629 = arith.divf %mul3A_623, %add3A_628 : vector<16xf32>
          %get3A_630 = arith.constant 144 : index
          %get3A_631 = tpu.vector_load %arg7[%get3A_630] {strides = array<i32>} : memref<1040xf32, #tpu.memory_space<vmem>>, vector<16xf32>,
          %get3A_632 = arith.constant 352 : index
          %get3A_633 = tpu.vector_load %arg7[%get3A_632] {strides = array<i32>} : memref<1040xf32, #tpu.memory_space<vmem>>, vector<16xf32>,
          %get3A_634 = arith.constant 560 : index
          %get3A_635 = tpu.vector_load %arg7[%get3A_634] {strides = array<i32>} : memref<1040xf32, #tpu.memory_space<vmem>>, vector<16xf32>,
          %get3A_636 = arith.constant 768 : index
          %get3A_637 = tpu.vector_load %arg7[%get3A_636] {strides = array<i32>} : memref<1040xf32, #tpu.memory_space<vmem>>, vector<16xf32>,
          %get3A_638 = arith.constant 976 : index
          %get3A_639 = tpu.vector_load %arg7[%get3A_638] {strides = array<i32>} : memref<1040xf32, #tpu.memory_space<vmem>>, vector<16xf32>,
          %min3A_640 = arith.minimumf %broadcast_in_dim3A_405, %get3A_635 : vector<16xf32>
          %max3A_641 = arith.maximumf %broadcast_in_dim3A_399, %get3A_631 : vector<16xf32>
          %sub3A_642 = arith.subf %min3A_640, %max3A_641 : vector<16xf32>
          %max3A_643 = arith.constant 0.000000e+00 : f32
          %max3A_644 = vector.broadcast %max3A_643 : f32 to vector<16xf32>
          %max3A_645 = arith.maximumf %sub3A_642, %max3A_644 : vector<16xf32>
          %min3A_646 = arith.minimumf %broadcast_in_dim3A_408, %get3A_637 : vector<16xf32>
          %max3A_647 = arith.maximumf %broadcast_in_dim3A_402, %get3A_633 : vector<16xf32>
          %sub3A_648 = arith.subf %min3A_646, %max3A_647 : vector<16xf32>
          %max3A_649 = arith.constant 0.000000e+00 : f32
          %max3A_650 = vector.broadcast %max3A_649 : f32 to vector<16xf32>
          %max3A_651 = arith.maximumf %sub3A_648, %max3A_650 : vector<16xf32>
          %mul3A_652 = arith.mulf %max3A_645, %max3A_651 : vector<16xf32>
          %add3A_653 = arith.addf %mul3A_416, %get3A_639 : vector<16xf32>
          %sub3A_654 = arith.subf %add3A_653, %mul3A_652 : vector<16xf32>
          %add3A_655 = arith.constant 9.99999996E-13 : f32
          %add3A_656 = vector.broadcast %add3A_655 : f32 to vector<16xf32>
          %add3A_657 = arith.addf %sub3A_654, %add3A_656 : vector<16xf32>
          %div3A_658 = arith.divf %mul3A_652, %add3A_657 : vector<16xf32>
          %max3A_659 = arith.maximumf %div3A_600, %div3A_629 : vector<16xf32>
          %max3A_660 = arith.maximumf %max3A_659, %div3A_658 : vector<16xf32>
          %max3A_661 = arith.maximumf %get3A_571, %max3A_660 : vector<16xf32>
          %swap3A_662 = arith.constant 0 : index
          %swap3A_663 = tpu.vector_load %arg9[%swap3A_662] {strides = array<i32>} : memref<16xf32, #tpu.memory_space<vmem>>, vector<16xf32>,
          tpu.vector_store %arg9[%swap3A_662], %max3A_661 {strides = array<i32>} : memref<16xf32, #tpu.memory_space<vmem>>, vector<16xf32>,
        } else {
        }
        %gt3A_550 = arith.constant 160 : i32
        %gt3A_551 = arith.cmpi sgt, %while3A_295, %gt3A_550 : i32
        %convert_element_type3A_552 = arith.extui %gt3A_551 : i1 to i32
        %cond3A_553 = arith.constant 0 : i32
        %cond3A_554 = arith.cmpi ne, %convert_element_type3A_552, %cond3A_553 : i32
        scf.if %cond3A_554 {
          %get3A_570 = arith.constant 0 : index
          %get3A_571 = tpu.vector_load %arg9[%get3A_570] {strides = array<i32>} : memref<16xf32, #tpu.memory_space<vmem>>, vector<16xf32>,
          %get3A_572 = arith.constant 160 : index
          %get3A_573 = tpu.vector_load %arg7[%get3A_572] {strides = array<i32>} : memref<1040xf32, #tpu.memory_space<vmem>>, vector<16xf32>,
          %get3A_574 = arith.constant 368 : index
          %get3A_575 = tpu.vector_load %arg7[%get3A_574] {strides = array<i32>} : memref<1040xf32, #tpu.memory_space<vmem>>, vector<16xf32>,
          %get3A_576 = arith.constant 576 : index
          %get3A_577 = tpu.vector_load %arg7[%get3A_576] {strides = array<i32>} : memref<1040xf32, #tpu.memory_space<vmem>>, vector<16xf32>,
          %get3A_578 = arith.constant 784 : index
          %get3A_579 = tpu.vector_load %arg7[%get3A_578] {strides = array<i32>} : memref<1040xf32, #tpu.memory_space<vmem>>, vector<16xf32>,
          %get3A_580 = arith.constant 992 : index
          %get3A_581 = tpu.vector_load %arg7[%get3A_580] {strides = array<i32>} : memref<1040xf32, #tpu.memory_space<vmem>>, vector<16xf32>,
          %min3A_582 = arith.minimumf %broadcast_in_dim3A_405, %get3A_577 : vector<16xf32>
          %max3A_583 = arith.maximumf %broadcast_in_dim3A_399, %get3A_573 : vector<16xf32>
          %sub3A_584 = arith.subf %min3A_582, %max3A_583 : vector<16xf32>
          %max3A_585 = arith.constant 0.000000e+00 : f32
          %max3A_586 = vector.broadcast %max3A_585 : f32 to vector<16xf32>
          %max3A_587 = arith.maximumf %sub3A_584, %max3A_586 : vector<16xf32>
          %min3A_588 = arith.minimumf %broadcast_in_dim3A_408, %get3A_579 : vector<16xf32>
          %max3A_589 = arith.maximumf %broadcast_in_dim3A_402, %get3A_575 : vector<16xf32>
          %sub3A_590 = arith.subf %min3A_588, %max3A_589 : vector<16xf32>
          %max3A_591 = arith.constant 0.000000e+00 : f32
          %max3A_592 = vector.broadcast %max3A_591 : f32 to vector<16xf32>
          %max3A_593 = arith.maximumf %sub3A_590, %max3A_592 : vector<16xf32>
          %mul3A_594 = arith.mulf %max3A_587, %max3A_593 : vector<16xf32>
          %add3A_595 = arith.addf %mul3A_416, %get3A_581 : vector<16xf32>
          %sub3A_596 = arith.subf %add3A_595, %mul3A_594 : vector<16xf32>
          %add3A_597 = arith.constant 9.99999996E-13 : f32
          %add3A_598 = vector.broadcast %add3A_597 : f32 to vector<16xf32>
          %add3A_599 = arith.addf %sub3A_596, %add3A_598 : vector<16xf32>
          %div3A_600 = arith.divf %mul3A_594, %add3A_599 : vector<16xf32>
          %get3A_601 = arith.constant 176 : index
          %get3A_602 = tpu.vector_load %arg7[%get3A_601] {strides = array<i32>} : memref<1040xf32, #tpu.memory_space<vmem>>, vector<16xf32>,
          %get3A_603 = arith.constant 384 : index
          %get3A_604 = tpu.vector_load %arg7[%get3A_603] {strides = array<i32>} : memref<1040xf32, #tpu.memory_space<vmem>>, vector<16xf32>,
          %get3A_605 = arith.constant 592 : index
          %get3A_606 = tpu.vector_load %arg7[%get3A_605] {strides = array<i32>} : memref<1040xf32, #tpu.memory_space<vmem>>, vector<16xf32>,
          %get3A_607 = arith.constant 800 : index
          %get3A_608 = tpu.vector_load %arg7[%get3A_607] {strides = array<i32>} : memref<1040xf32, #tpu.memory_space<vmem>>, vector<16xf32>,
          %get3A_609 = arith.constant 1008 : index
          %get3A_610 = tpu.vector_load %arg7[%get3A_609] {strides = array<i32>} : memref<1040xf32, #tpu.memory_space<vmem>>, vector<16xf32>,
          %min3A_611 = arith.minimumf %broadcast_in_dim3A_405, %get3A_606 : vector<16xf32>
          %max3A_612 = arith.maximumf %broadcast_in_dim3A_399, %get3A_602 : vector<16xf32>
          %sub3A_613 = arith.subf %min3A_611, %max3A_612 : vector<16xf32>
          %max3A_614 = arith.constant 0.000000e+00 : f32
          %max3A_615 = vector.broadcast %max3A_614 : f32 to vector<16xf32>
          %max3A_616 = arith.maximumf %sub3A_613, %max3A_615 : vector<16xf32>
          %min3A_617 = arith.minimumf %broadcast_in_dim3A_408, %get3A_608 : vector<16xf32>
          %max3A_618 = arith.maximumf %broadcast_in_dim3A_402, %get3A_604 : vector<16xf32>
          %sub3A_619 = arith.subf %min3A_617, %max3A_618 : vector<16xf32>
          %max3A_620 = arith.constant 0.000000e+00 : f32
          %max3A_621 = vector.broadcast %max3A_620 : f32 to vector<16xf32>
          %max3A_622 = arith.maximumf %sub3A_619, %max3A_621 : vector<16xf32>
          %mul3A_623 = arith.mulf %max3A_616, %max3A_622 : vector<16xf32>
          %add3A_624 = arith.addf %mul3A_416, %get3A_610 : vector<16xf32>
          %sub3A_625 = arith.subf %add3A_624, %mul3A_623 : vector<16xf32>
          %add3A_626 = arith.constant 9.99999996E-13 : f32
          %add3A_627 = vector.broadcast %add3A_626 : f32 to vector<16xf32>
          %add3A_628 = arith.addf %sub3A_625, %add3A_627 : vector<16xf32>
          %div3A_629 = arith.divf %mul3A_623, %add3A_628 : vector<16xf32>
          %get3A_630 = arith.constant 192 : index
          %get3A_631 = tpu.vector_load %arg7[%get3A_630] {strides = array<i32>} : memref<1040xf32, #tpu.memory_space<vmem>>, vector<16xf32>,
          %get3A_632 = arith.constant 400 : index
          %get3A_633 = tpu.vector_load %arg7[%get3A_632] {strides = array<i32>} : memref<1040xf32, #tpu.memory_space<vmem>>, vector<16xf32>,
          %get3A_634 = arith.constant 608 : index
          %get3A_635 = tpu.vector_load %arg7[%get3A_634] {strides = array<i32>} : memref<1040xf32, #tpu.memory_space<vmem>>, vector<16xf32>,
          %get3A_636 = arith.constant 816 : index
          %get3A_637 = tpu.vector_load %arg7[%get3A_636] {strides = array<i32>} : memref<1040xf32, #tpu.memory_space<vmem>>, vector<16xf32>,
          %get3A_638 = arith.constant 1024 : index
          %get3A_639 = tpu.vector_load %arg7[%get3A_638] {strides = array<i32>} : memref<1040xf32, #tpu.memory_space<vmem>>, vector<16xf32>,
          %min3A_640 = arith.minimumf %broadcast_in_dim3A_405, %get3A_635 : vector<16xf32>
          %max3A_641 = arith.maximumf %broadcast_in_dim3A_399, %get3A_631 : vector<16xf32>
          %sub3A_642 = arith.subf %min3A_640, %max3A_641 : vector<16xf32>
          %max3A_643 = arith.constant 0.000000e+00 : f32
          %max3A_644 = vector.broadcast %max3A_643 : f32 to vector<16xf32>
          %max3A_645 = arith.maximumf %sub3A_642, %max3A_644 : vector<16xf32>
          %min3A_646 = arith.minimumf %broadcast_in_dim3A_408, %get3A_637 : vector<16xf32>
          %max3A_647 = arith.maximumf %broadcast_in_dim3A_402, %get3A_633 : vector<16xf32>
          %sub3A_648 = arith.subf %min3A_646, %max3A_647 : vector<16xf32>
          %max3A_649 = arith.constant 0.000000e+00 : f32
          %max3A_650 = vector.broadcast %max3A_649 : f32 to vector<16xf32>
          %max3A_651 = arith.maximumf %sub3A_648, %max3A_650 : vector<16xf32>
          %mul3A_652 = arith.mulf %max3A_645, %max3A_651 : vector<16xf32>
          %add3A_653 = arith.addf %mul3A_416, %get3A_639 : vector<16xf32>
          %sub3A_654 = arith.subf %add3A_653, %mul3A_652 : vector<16xf32>
          %add3A_655 = arith.constant 9.99999996E-13 : f32
          %add3A_656 = vector.broadcast %add3A_655 : f32 to vector<16xf32>
          %add3A_657 = arith.addf %sub3A_654, %add3A_656 : vector<16xf32>
          %div3A_658 = arith.divf %mul3A_652, %add3A_657 : vector<16xf32>
          %max3A_659 = arith.maximumf %div3A_600, %div3A_629 : vector<16xf32>
          %max3A_660 = arith.maximumf %max3A_659, %div3A_658 : vector<16xf32>
          %max3A_661 = arith.maximumf %get3A_571, %max3A_660 : vector<16xf32>
          %swap3A_662 = arith.constant 0 : index
          %swap3A_663 = tpu.vector_load %arg9[%swap3A_662] {strides = array<i32>} : memref<16xf32, #tpu.memory_space<vmem>>, vector<16xf32>,
          tpu.vector_store %arg9[%swap3A_662], %max3A_661 {strides = array<i32>} : memref<16xf32, #tpu.memory_space<vmem>>, vector<16xf32>,
        } else {
        }
        %get3A_555 = arith.constant 0 : index
        %get3A_556 = tpu.vector_load %arg9[%get3A_555] {strides = array<i32>} : memref<16xf32, #tpu.memory_space<vmem>>, vector<16xf32>,
        %reduce_max3A_557 = arith.constant true
        %reduce_max3A_558 = vector.broadcast %reduce_max3A_557 : i1 to vector<16xi1>
        %reduce_max3A_559 = tpu.scan <max>, %get3A_556 masked %reduce_max3A_558 : vector<16xf32>, vector<16xi1> -> vector<16xf32>
        %reduce_max3A_560 = vector.extract %reduce_max3A_559[15] : f32 from vector<16xf32>
        %gt3A_561 = arith.constant 4.500000e-01 : f32
        %gt3A_562 = arith.cmpf ogt, %reduce_max3A_560, %gt3A_561 : f32
        %not3A = arith.constant true
        %not3A_563 = arith.xori %gt3A_562, %not3A : i1
        %and3A = arith.andi %gt3A_312, %not3A_563 : i1
        %convert_element_type3A_564 = arith.extui %and3A : i1 to i32
        %cond3A_565 = arith.constant 0 : i32
        %cond3A_566 = arith.cmpi ne, %convert_element_type3A_564, %cond3A_565 : i32
        scf.if %cond3A_566 {
          %eq3A_570 = arith.constant 0 : i32
          %eq3A_571 = vector.broadcast %eq3A_570 : i32 to vector<16xi32>
          %eq3A_572 = arith.cmpi eq, %iota3A, %eq3A_571 : vector<16xi32>
          %eq3A_573 = arith.constant 1 : i32
          %eq3A_574 = vector.broadcast %eq3A_573 : i32 to vector<16xi32>
          %eq3A_575 = arith.cmpi eq, %iota3A, %eq3A_574 : vector<16xi32>
          %eq3A_576 = arith.constant 2 : i32
          %eq3A_577 = vector.broadcast %eq3A_576 : i32 to vector<16xi32>
          %eq3A_578 = arith.cmpi eq, %iota3A, %eq3A_577 : vector<16xi32>
          %eq3A_579 = arith.constant 3 : i32
          %eq3A_580 = vector.broadcast %eq3A_579 : i32 to vector<16xi32>
          %eq3A_581 = arith.cmpi eq, %iota3A, %eq3A_580 : vector<16xi32>
          %select_n3A_582 = arith.select %eq3A_581, %broadcast_in_dim3A_408, %mul3A_416 : vector<16xi1>, vector<16xf32>
          %select_n3A_583 = arith.select %eq3A_578, %broadcast_in_dim3A_405, %select_n3A_582 : vector<16xi1>, vector<16xf32>
          %select_n3A_584 = arith.select %eq3A_575, %broadcast_in_dim3A_402, %select_n3A_583 : vector<16xi1>, vector<16xf32>
          %select_n3A_585 = arith.select %eq3A_572, %broadcast_in_dim3A_399, %select_n3A_584 : vector<16xi1>, vector<16xf32>
          %eq3A_586 = arith.constant 0 : i32
          %eq3A_587 = vector.broadcast %eq3A_586 : i32 to vector<16xi32>
          %eq3A_588 = arith.cmpi eq, %iota3A, %eq3A_587 : vector<16xi32>
          %eq3A_589 = arith.constant 1 : i32
          %eq3A_590 = vector.broadcast %eq3A_589 : i32 to vector<16xi32>
          %eq3A_591 = arith.cmpi eq, %iota3A, %eq3A_590 : vector<16xi32>
          %eq3A_592 = arith.constant 2 : i32
          %eq3A_593 = vector.broadcast %eq3A_592 : i32 to vector<16xi32>
          %eq3A_594 = arith.cmpi eq, %iota3A, %eq3A_593 : vector<16xi32>
          %eq3A_595 = arith.constant 3 : i32
          %eq3A_596 = vector.broadcast %eq3A_595 : i32 to vector<16xi32>
          %eq3A_597 = arith.cmpi eq, %iota3A, %eq3A_596 : vector<16xi32>
          %select_n3A_598 = arith.select %eq3A_597, %broadcast_in_dim3A_405, %broadcast_in_dim3A_408 : vector<16xi1>, vector<16xf32>
          %select_n3A_599 = arith.select %eq3A_594, %broadcast_in_dim3A_402, %select_n3A_598 : vector<16xi1>, vector<16xf32>
          %select_n3A_600 = arith.select %eq3A_591, %broadcast_in_dim3A_399, %select_n3A_599 : vector<16xi1>, vector<16xf32>
          %select_n3A_601 = arith.select %eq3A_588, %broadcast_in_dim3A_313, %select_n3A_600 : vector<16xi1>, vector<16xf32>
          %lt3A_602 = arith.constant 5 : i32
          %lt3A_603 = vector.broadcast %lt3A_602 : i32 to vector<16xi32>
          %lt3A_604 = arith.cmpi slt, %iota3A, %lt3A_603 : vector<16xi32>
          %jit3A_605 = arith.constant 0 : i32
          %broadcast_in_dim3A_606 = vector.broadcast %jit3A_605 : i32 to vector<16xi32>
          %select_n3A_607 = arith.select %lt3A_604, %iota3A, %broadcast_in_dim3A_606 : vector<16xi1>, vector<16xi32>
          %mul3A_608 = arith.constant 208 : i32
          %mul3A_609 = vector.broadcast %mul3A_608 : i32 to vector<16xi32>
          %mul3A_610 = arith.muli %select_n3A_607, %mul3A_609 : vector<16xi32>
          %add3A_611 = vector.broadcast %while3A_295 : i32 to vector<16xi32>
          %add3A_612 = arith.addi %mul3A_610, %add3A_611 : vector<16xi32>
          tpu.vector_store_idx %arg7[%add3A_612], %select_n3A_585 masked %lt3A_604 : memref<1040xf32, #tpu.memory_space<vmem>>[vector<16xi32>], vector<16xf32>, vector<16xi1>
          %mul3A_613 = arith.constant 256 : i32
          %mul3A_614 = vector.broadcast %mul3A_613 : i32 to vector<16xi32>
          %mul3A_615 = arith.muli %select_n3A_607, %mul3A_614 : vector<16xi32>
          %add3A_616 = vector.broadcast %while3A_295 : i32 to vector<16xi32>
          %add3A_617 = arith.addi %mul3A_615, %add3A_616 : vector<16xi32>
          tpu.vector_store_idx %arg8[%add3A_617], %select_n3A_601 masked %lt3A_604 : memref<1280xf32, #tpu.memory_space<vmem>>[vector<16xi32>], vector<16xf32>, vector<16xi1>
        } else {
        }
        %add3A_567 = arith.constant 1 : i32
        %add3A_568 = arith.addi %while3A_295, %add3A_567 : i32
        %select_n3A_569 = arith.select %and3A, %add3A_568, %while3A_295 : i32
        scf.yield %select_n3A_569, %gt3A_312 : i32, i1
      }
      "tpu.region"() ({
        %run_scoped3A = tpu.sem_alloc : memref<!tpu.dma_semaphore, #tpu.memory_space<semaphore_mem>>
        %dma_start3A = arith.constant 0 : i32
        %dma_start3A_295 = tpu.memref_slice %arg4[%add3A, %dma_start3A] : memref<8x1280xf32, #tpu.memory_space<hbm>> -> memref<1x1280xf32, #tpu.memory_space<hbm>>
        %dma_start3A_296 = tpu.memref_squeeze %dma_start3A_295 : memref<1x1280xf32, #tpu.memory_space<hbm>> -> memref<1280xf32, #tpu.memory_space<hbm>>
        %dma_start3A_297 = arith.constant 0 : i32
        %dma_start3A_298 = tpu.memref_slice %arg4[%add3A, %dma_start3A_297] : memref<8x1280xf32, #tpu.memory_space<hbm>> -> memref<1x1280xf32, #tpu.memory_space<hbm>>
        %dma_start3A_299 = tpu.memref_squeeze %dma_start3A_298 : memref<1x1280xf32, #tpu.memory_space<hbm>> -> memref<1280xf32, #tpu.memory_space<hbm>>
        tpu.enqueue_dma source(%arg8 : memref<1280xf32, #tpu.memory_space<vmem>>) target(%dma_start3A_299 : memref<1280xf32, #tpu.memory_space<hbm>>) target_semaphore(%run_scoped3A : memref<!tpu.dma_semaphore, #tpu.memory_space<semaphore_mem>>)
        %dma_wait3A = arith.constant 0 : i32
        %dma_wait3A_300 = tpu.memref_slice %arg4[%add3A, %dma_wait3A] : memref<8x1280xf32, #tpu.memory_space<hbm>> -> memref<1x1280xf32, #tpu.memory_space<hbm>>
        %dma_wait3A_301 = tpu.memref_squeeze %dma_wait3A_300 : memref<1x1280xf32, #tpu.memory_space<hbm>> -> memref<1280xf32, #tpu.memory_space<hbm>>
        %dma_wait3A_302 = arith.constant 0 : i32
        %dma_wait3A_303 = tpu.memref_slice %arg4[%add3A, %dma_wait3A_302] : memref<8x1280xf32, #tpu.memory_space<hbm>> -> memref<1x1280xf32, #tpu.memory_space<hbm>>
        %dma_wait3A_304 = tpu.memref_squeeze %dma_wait3A_303 : memref<1x1280xf32, #tpu.memory_space<hbm>> -> memref<1280xf32, #tpu.memory_space<hbm>>
        tpu.wait_dma2 semaphore(%run_scoped3A : memref<!tpu.dma_semaphore, #tpu.memory_space<semaphore_mem>>) src(%arg8 : memref<1280xf32, #tpu.memory_space<vmem>>) dst(%dma_wait3A_304 : memref<1280xf32, #tpu.memory_space<hbm>>)
        tpu.yield
      }) : () -> ()
    } else {
    }
    return
  }
}

module attributes {stable_mosaic.version = 14 : i64} {
  func.func @_decode_kernel(%arg0: memref<4x8x20000xf32, #tpu.memory_space<vmem>>, %arg1: memref<8x20000xf32, #tpu.memory_space<vmem>>, %arg2: memref<4x20000xf32, #tpu.memory_space<vmem>>, %arg3: memref<8x102400xf32, #tpu.memory_space<vmem>>, %arg4: memref<8x1360xf32, #tpu.memory_space<vmem>>) attributes {dimension_semantics = [], scalar_prefetch = 0 : i64, scratch_operands = 0 : i64, tpu.core_type = #tpu.core_type<tc>} {
    %get3A = arith.constant 0 : index
    %get3A_0 = arith.constant 0 : index
    %get3A_1 = vector.load %arg2[%get3A, %get3A_0] : memref<4x20000xf32, #tpu.memory_space<vmem>>, vector<1x20000xf32>
    %get3A_2 = vector.shape_cast %get3A_1 : vector<1x20000xf32> to vector<20000xf32>
    %broadcast_in_dim3A = vector.shape_cast %get3A_2 : vector<20000xf32> to vector<1x20000xf32>
    %get3A_3 = arith.constant 1 : index
    %get3A_4 = arith.constant 0 : index
    %get3A_5 = vector.load %arg2[%get3A_3, %get3A_4] : memref<4x20000xf32, #tpu.memory_space<vmem>>, vector<1x20000xf32>
    %get3A_6 = vector.shape_cast %get3A_5 : vector<1x20000xf32> to vector<20000xf32>
    %broadcast_in_dim3A_7 = vector.shape_cast %get3A_6 : vector<20000xf32> to vector<1x20000xf32>
    %get3A_8 = arith.constant 2 : index
    %get3A_9 = arith.constant 0 : index
    %get3A_10 = vector.load %arg2[%get3A_8, %get3A_9] : memref<4x20000xf32, #tpu.memory_space<vmem>>, vector<1x20000xf32>
    %get3A_11 = vector.shape_cast %get3A_10 : vector<1x20000xf32> to vector<20000xf32>
    %broadcast_in_dim3A_12 = vector.shape_cast %get3A_11 : vector<20000xf32> to vector<1x20000xf32>
    %get3A_13 = arith.constant 3 : index
    %get3A_14 = arith.constant 0 : index
    %get3A_15 = vector.load %arg2[%get3A_13, %get3A_14] : memref<4x20000xf32, #tpu.memory_space<vmem>>, vector<1x20000xf32>
    %get3A_16 = vector.shape_cast %get3A_15 : vector<1x20000xf32> to vector<20000xf32>
    %broadcast_in_dim3A_17 = vector.shape_cast %get3A_16 : vector<20000xf32> to vector<1x20000xf32>
    %get3A_18 = arith.constant 0 : index
    %get3A_19 = arith.constant 0 : index
    %get3A_20 = arith.constant 0 : index
    %get3A_21 = vector.load %arg0[%get3A_18, %get3A_19, %get3A_20] : memref<4x8x20000xf32, #tpu.memory_space<vmem>>, vector<1x8x20000xf32>
    %get3A_22 = vector.shape_cast %get3A_21 : vector<1x8x20000xf32> to vector<8x20000xf32>
    %get3A_23 = arith.constant 1 : index
    %get3A_24 = arith.constant 0 : index
    %get3A_25 = arith.constant 0 : index
    %get3A_26 = vector.load %arg0[%get3A_23, %get3A_24, %get3A_25] : memref<4x8x20000xf32, #tpu.memory_space<vmem>>, vector<1x8x20000xf32>
    %get3A_27 = vector.shape_cast %get3A_26 : vector<1x8x20000xf32> to vector<8x20000xf32>
    %get3A_28 = arith.constant 2 : index
    %get3A_29 = arith.constant 0 : index
    %get3A_30 = arith.constant 0 : index
    %get3A_31 = vector.load %arg0[%get3A_28, %get3A_29, %get3A_30] : memref<4x8x20000xf32, #tpu.memory_space<vmem>>, vector<1x8x20000xf32>
    %get3A_32 = vector.shape_cast %get3A_31 : vector<1x8x20000xf32> to vector<8x20000xf32>
    %get3A_33 = arith.constant 3 : index
    %get3A_34 = arith.constant 0 : index
    %get3A_35 = arith.constant 0 : index
    %get3A_36 = vector.load %arg0[%get3A_33, %get3A_34, %get3A_35] : memref<4x8x20000xf32, #tpu.memory_space<vmem>>, vector<1x8x20000xf32>
    %get3A_37 = vector.shape_cast %get3A_36 : vector<1x8x20000xf32> to vector<8x20000xf32>
    %mul3A = arith.constant 1.000000e-01 : f32
    %mul3A_38 = vector.broadcast %mul3A : f32 to vector<8x20000xf32>
    %mul3A_39 = arith.mulf %get3A_22, %mul3A_38 : vector<8x20000xf32>
    %mul3A_40 = vector.broadcast %broadcast_in_dim3A_12 : vector<1x20000xf32> to vector<8x20000xf32>
    %mul3A_41 = arith.mulf %mul3A_39, %mul3A_40 : vector<8x20000xf32>
    %add3A = vector.broadcast %broadcast_in_dim3A : vector<1x20000xf32> to vector<8x20000xf32>
    %add3A_42 = arith.addf %add3A, %mul3A_41 : vector<8x20000xf32>
    %mul3A_43 = arith.constant 1.000000e-01 : f32
    %mul3A_44 = vector.broadcast %mul3A_43 : f32 to vector<8x20000xf32>
    %mul3A_45 = arith.mulf %get3A_27, %mul3A_44 : vector<8x20000xf32>
    %mul3A_46 = vector.broadcast %broadcast_in_dim3A_17 : vector<1x20000xf32> to vector<8x20000xf32>
    %mul3A_47 = arith.mulf %mul3A_45, %mul3A_46 : vector<8x20000xf32>
    %add3A_48 = vector.broadcast %broadcast_in_dim3A_7 : vector<1x20000xf32> to vector<8x20000xf32>
    %add3A_49 = arith.addf %add3A_48, %mul3A_47 : vector<8x20000xf32>
    %mul3A_50 = arith.constant 2.000000e-01 : f32
    %mul3A_51 = vector.broadcast %mul3A_50 : f32 to vector<8x20000xf32>
    %mul3A_52 = arith.mulf %get3A_32, %mul3A_51 : vector<8x20000xf32>
    %exp3A = math.exp %mul3A_52 : vector<8x20000xf32>
    %mul3A_53 = vector.broadcast %broadcast_in_dim3A_12 : vector<1x20000xf32> to vector<8x20000xf32>
    %mul3A_54 = arith.mulf %mul3A_53, %exp3A : vector<8x20000xf32>
    %mul3A_55 = arith.constant 2.000000e-01 : f32
    %mul3A_56 = vector.broadcast %mul3A_55 : f32 to vector<8x20000xf32>
    %mul3A_57 = arith.mulf %get3A_37, %mul3A_56 : vector<8x20000xf32>
    %exp3A_58 = math.exp %mul3A_57 : vector<8x20000xf32>
    %mul3A_59 = vector.broadcast %broadcast_in_dim3A_17 : vector<1x20000xf32> to vector<8x20000xf32>
    %mul3A_60 = arith.mulf %mul3A_59, %exp3A_58 : vector<8x20000xf32>
    %div3A = arith.constant 2.000000e+00 : f32
    %div3A_61 = vector.broadcast %div3A : f32 to vector<8x20000xf32>
    %div3A_62 = arith.divf %mul3A_54, %div3A_61 : vector<8x20000xf32>
    %sub3A = arith.subf %add3A_42, %div3A_62 : vector<8x20000xf32>
    %div3A_63 = arith.constant 2.000000e+00 : f32
    %div3A_64 = vector.broadcast %div3A_63 : f32 to vector<8x20000xf32>
    %div3A_65 = arith.divf %mul3A_60, %div3A_64 : vector<8x20000xf32>
    %sub3A_66 = arith.subf %add3A_49, %div3A_65 : vector<8x20000xf32>
    %add3A_67 = arith.addf %sub3A, %mul3A_54 : vector<8x20000xf32>
    %add3A_68 = arith.addf %sub3A_66, %mul3A_60 : vector<8x20000xf32>
    %swap3A = arith.constant 0 : index
    %swap3A_69 = arith.constant 20480 : index
    %swap3A_70 = vector.load %arg3[%swap3A, %swap3A_69] : memref<8x102400xf32, #tpu.memory_space<vmem>>, vector<8x20000xf32>
    tpu.vector_store %arg3[%swap3A, %swap3A_69], %sub3A {strides = array<i32>} : memref<8x102400xf32, #tpu.memory_space<vmem>>, vector<8x20000xf32>,
    %swap3A_71 = arith.constant 0 : index
    %swap3A_72 = arith.constant 40960 : index
    %swap3A_73 = vector.load %arg3[%swap3A_71, %swap3A_72] : memref<8x102400xf32, #tpu.memory_space<vmem>>, vector<8x20000xf32>
    tpu.vector_store %arg3[%swap3A_71, %swap3A_72], %sub3A_66 {strides = array<i32>} : memref<8x102400xf32, #tpu.memory_space<vmem>>, vector<8x20000xf32>,
    %swap3A_74 = arith.constant 0 : index
    %swap3A_75 = arith.constant 61440 : index
    %swap3A_76 = vector.load %arg3[%swap3A_74, %swap3A_75] : memref<8x102400xf32, #tpu.memory_space<vmem>>, vector<8x20000xf32>
    tpu.vector_store %arg3[%swap3A_74, %swap3A_75], %add3A_67 {strides = array<i32>} : memref<8x102400xf32, #tpu.memory_space<vmem>>, vector<8x20000xf32>,
    %swap3A_77 = arith.constant 0 : index
    %swap3A_78 = arith.constant 81920 : index
    %swap3A_79 = vector.load %arg3[%swap3A_77, %swap3A_78] : memref<8x102400xf32, #tpu.memory_space<vmem>>, vector<8x20000xf32>
    tpu.vector_store %arg3[%swap3A_77, %swap3A_78], %add3A_68 {strides = array<i32>} : memref<8x102400xf32, #tpu.memory_space<vmem>>, vector<8x20000xf32>,
    %broadcast_in_dim3A_80 = arith.constant 0.000000e+00 : f32
    %broadcast_in_dim3A_81 = vector.broadcast %broadcast_in_dim3A_80 : f32 to vector<8x480xf32>
    %swap3A_82 = arith.constant 0 : index
    %swap3A_83 = arith.constant 40480 : index
    %swap3A_84 = vector.load %arg3[%swap3A_82, %swap3A_83] : memref<8x102400xf32, #tpu.memory_space<vmem>>, vector<8x480xf32>
    tpu.vector_store %arg3[%swap3A_82, %swap3A_83], %broadcast_in_dim3A_81 {strides = array<i32>} : memref<8x102400xf32, #tpu.memory_space<vmem>>, vector<8x480xf32>,
    %broadcast_in_dim3A_85 = arith.constant 0.000000e+00 : f32
    %broadcast_in_dim3A_86 = vector.broadcast %broadcast_in_dim3A_85 : f32 to vector<8x480xf32>
    %swap3A_87 = arith.constant 0 : index
    %swap3A_88 = arith.constant 60960 : index
    %swap3A_89 = vector.load %arg3[%swap3A_87, %swap3A_88] : memref<8x102400xf32, #tpu.memory_space<vmem>>, vector<8x480xf32>
    tpu.vector_store %arg3[%swap3A_87, %swap3A_88], %broadcast_in_dim3A_86 {strides = array<i32>} : memref<8x102400xf32, #tpu.memory_space<vmem>>, vector<8x480xf32>,
    %broadcast_in_dim3A_90 = arith.constant 0.000000e+00 : f32
    %broadcast_in_dim3A_91 = vector.broadcast %broadcast_in_dim3A_90 : f32 to vector<8x480xf32>
    %swap3A_92 = arith.constant 0 : index
    %swap3A_93 = arith.constant 81440 : index
    %swap3A_94 = vector.load %arg3[%swap3A_92, %swap3A_93] : memref<8x102400xf32, #tpu.memory_space<vmem>>, vector<8x480xf32>
    tpu.vector_store %arg3[%swap3A_92, %swap3A_93], %broadcast_in_dim3A_91 {strides = array<i32>} : memref<8x102400xf32, #tpu.memory_space<vmem>>, vector<8x480xf32>,
    %broadcast_in_dim3A_95 = arith.constant 0.000000e+00 : f32
    %broadcast_in_dim3A_96 = vector.broadcast %broadcast_in_dim3A_95 : f32 to vector<8x480xf32>
    %swap3A_97 = arith.constant 0 : index
    %swap3A_98 = arith.constant 101920 : index
    %swap3A_99 = vector.load %arg3[%swap3A_97, %swap3A_98] : memref<8x102400xf32, #tpu.memory_space<vmem>>, vector<8x480xf32>
    tpu.vector_store %arg3[%swap3A_97, %swap3A_98], %broadcast_in_dim3A_96 {strides = array<i32>} : memref<8x102400xf32, #tpu.memory_space<vmem>>, vector<8x480xf32>,
    %get3A_100 = arith.constant 0 : index
    %get3A_101 = arith.constant 0 : index
    %get3A_102 = vector.load %arg1[%get3A_100, %get3A_101] : memref<8x20000xf32, #tpu.memory_space<vmem>>, vector<8x20000xf32>
    %gt3A = arith.constant 0.00999999977 : f32
    %gt3A_103 = vector.broadcast %gt3A : f32 to vector<8x20000xf32>
    %gt3A_104 = arith.cmpf ogt, %get3A_102, %gt3A_103 : vector<8x20000xf32>
    %jit3A = arith.constant -1.000000e+30 : f32
    %broadcast_in_dim3A_105 = vector.broadcast %jit3A : f32 to vector<8x20000xf32>
    %select_n3A = arith.select %gt3A_104, %get3A_102, %broadcast_in_dim3A_105 : vector<8x20000xi1>, vector<8x20000xf32>
    %swap3A_106 = arith.constant 0 : index
    %swap3A_107 = arith.constant 0 : index
    %swap3A_108 = vector.load %arg3[%swap3A_106, %swap3A_107] : memref<8x102400xf32, #tpu.memory_space<vmem>>, vector<8x20000xf32>
    tpu.vector_store %arg3[%swap3A_106, %swap3A_107], %select_n3A {strides = array<i32>} : memref<8x102400xf32, #tpu.memory_space<vmem>>, vector<8x20000xf32>,
    %broadcast_in_dim3A_109 = arith.constant -1.000000e+30 : f32
    %broadcast_in_dim3A_110 = vector.broadcast %broadcast_in_dim3A_109 : f32 to vector<8x480xf32>
    %swap3A_111 = arith.constant 0 : index
    %swap3A_112 = arith.constant 20000 : index
    %swap3A_113 = vector.load %arg3[%swap3A_111, %swap3A_112] : memref<8x102400xf32, #tpu.memory_space<vmem>>, vector<8x480xf32>
    tpu.vector_store %arg3[%swap3A_111, %swap3A_112], %broadcast_in_dim3A_110 {strides = array<i32>} : memref<8x102400xf32, #tpu.memory_space<vmem>>, vector<8x480xf32>,
    %get3A_114 = arith.constant 0 : index
    %get3A_115 = arith.constant 0 : index
    %get3A_116 = vector.load %arg3[%get3A_114, %get3A_115] : memref<8x102400xf32, #tpu.memory_space<vmem>>, vector<8x20480xf32>
    %reshape3A = vector.shape_cast %get3A_116 : vector<8x20480xf32> to vector<8x1280x16xf32>
    %reduce_max3A = arith.constant dense<0xFF800000> : vector<8x1280xf32>
    %reduce_max3A_117 = vector.multi_reduction <maximumf>, %reshape3A, %reduce_max3A [2] : vector<8x1280x16xf32> to vector<8x1280xf32>
    %swap3A_118 = arith.constant 0 : index
    %swap3A_119 = arith.constant 0 : index
    %swap3A_120 = vector.load %arg4[%swap3A_118, %swap3A_119] : memref<8x1360xf32, #tpu.memory_space<vmem>>, vector<8x1280xf32>
    tpu.vector_store %arg4[%swap3A_118, %swap3A_119], %reduce_max3A_117 {strides = array<i32>} : memref<8x1360xf32, #tpu.memory_space<vmem>>, vector<8x1280xf32>,
    %reshape3A_121 = vector.shape_cast %reduce_max3A_117 : vector<8x1280xf32> to vector<8x80x16xf32>
    %reduce_max3A_122 = arith.constant dense<0xFF800000> : vector<8x80xf32>
    %reduce_max3A_123 = vector.multi_reduction <maximumf>, %reshape3A_121, %reduce_max3A_122 [2] : vector<8x80x16xf32> to vector<8x80xf32>
    %swap3A_124 = arith.constant 0 : index
    %swap3A_125 = arith.constant 1280 : index
    %swap3A_126 = vector.load %arg4[%swap3A_124, %swap3A_125] : memref<8x1360xf32, #tpu.memory_space<vmem>>, vector<8x80xf32>
    tpu.vector_store %arg4[%swap3A_124, %swap3A_125], %reduce_max3A_123 {strides = array<i32>} : memref<8x1360xf32, #tpu.memory_space<vmem>>, vector<8x80xf32>,
    return
  }
}

</mosaic_0001>

<sc_bundles>
// kernel: kernel.4.cloned.1.call-start
scs
__scs_entry_jumppad:
0x0: {  	(pc) =	sbr.rel $0x88, $3  }
0x1: {  	(tag) =	ssettag $0x0;
	lr =	simm.s32 $0x1  }
0x2: {  	[smem:$0x3F9E] =	sst lr;
	_ =	strace $0xD0000000  }
0x3: {  	_ = 	snop  }
0x4: {  	_ = 	snop  }
0x5: {  	_ = 	snop  }
0x6: {  	_ = 	snop  }
0x7: {  	_ = 	snop  }
__scs_overlays_trampoline_lowered:
0x8: {  	[smem:$0x3FAD] =	sst s0  }
0x9: {  	[smem:$0x3FAE] =	sst s1  }
0xa: {  	[smem:$0x3FAF] =	sst s2  }
0xb: {  	[smem:$0x3FB0] =	sst s3  }
0xc: {  	[smem:$0x3FB1] =	sst s4  }
0xd: {  	[smem:$0x3FB2] =	sst s5  }
0xe: {  	[smem:$0x3FB3] =	sst s6  }
0xf: {  	[smem:$0x3FB4] =	sst s7  }
0x10: {  	[smem:$0x3FB5] =	sst s8  }
0x11: {  	[smem:$0x3FB6] =	sst s9;
	s0 =	simm.s32 @!p0 $0x0  }
0x12: {  	s1 =	sld [smem:$0x3F9C];
	s0 =	simm.s32 @p0 $0x1  }
0x13: {  	[smem:$0x3FB7] =	sst s0;
	s0 =	simm.s32 @!p1 $0x0  }
0x14: {  	s2 =	sld [smem:$0x3F9B];
	s0 =	simm.s32 @p1 $0x1  }
0x15: {  	[smem:$0x3FB8] =	sst s0;
	s0 =	simm.s32 @!p2 $0x0  }
0x16: {  	s3 =	sld [smem:$0x3FDB];
	s0 =	simm.s32 @p2 $0x1  }
0x17: {  	s4 =	simm.s32 $0x1BF5;
	[smem:$0x3FBA] =	sst s0  }
0x18: {  	s0 =	sld [smem:$0x3F9D];
	_ =	swait.ge [sflag:s4], $0x0  }
0x19: {  	s7 =	sld [smem:$0x3F9E]  }
0x1a: {  	s8 =	sadd.s32 $0xFFFFE003, lr  }
0x1b: {  	s9 =	sadd.s32 $0xFFFFFEF7, lr;
	s5 =	simm.s32 $0xFFFFFFFF;
	p2 =	slt.u32 s8, $0xFFFFF086  }
0x1c: {  	p1 =	slt.u32 s9, $0xF7A;
	s5 =	simm.s32 @!p2 $0x0  }
0x1d: {  	s5 =	simm.s32 @p1 $0x1;
	p0 =	seq.s32 s7, s2  }
0x1e: {  	s7 =	smul.u32 @!p0 $0xF7A, s2;
	p2 =	seq.s32 @!p0 s5, $0x0  }
0x1f: {  	s9 =	smul.u32 $0xF7A, s1;
	s8 =	simm.s32 @!p0 $0x1BF5;
	p2 =	por !p2, p0  }
0x20: {  	[sflag:s8] =	ssyncset.s32 @!p0 $0xFFFFF086;
	s6 =	sadd.s32 @!p0 s3, s7;
	s7 =	simm.s32 @!p0 $0x108  }
0x21: {  	s3 =	sadd.s32 s3, s9;
	s6 =	sadd.s32 @!p0 $0x88, s6;
	s7 =	simm.s32 @p2 $0x1082  }
0x22: {  	[simem:s7], [sflag:s8] =	dma.local @!p0 [hbm:s6], $0xF7A  }
0x23: {  	s9 =	sor.u32 $0xD0000000, s2;
	s6 =	simm.s32 $0x108;
	_ =	swait.ge @!p0 [sflag:s8], $0x0  }
0x24: {  	s3 =	sadd.s32 $0x88, s3;
	s6 =	simm.s32 @!p1 $0x1082;
	[sflag:s4] =	ssyncset.s32 $0xFFFFF086  }
0x25: {  	[simem:s6], [sflag:s4] =	dma.local [hbm:s3], $0xF7A  }
0x26: {  	[smem:$0x3F9E] =	sst s1;
	(tag) =	ssettag s2;
	_ =	strace s9  }
0x27: {  	s1 =	sld [smem:$0x3FAE]  }
0x28: {  	s2 =	sld [smem:$0x3FAF]  }
0x29: {  	s4 =	sld [smem:$0x3FB1]  }
0x2a: {  	p0 =	seq.s32 s5, $0x0;
	s5 =	sld [smem:$0x3FB2]  }
0x2b: {  	s6 =	sld [smem:$0x3FB3]  }
0x2c: {  	s7 =	sld [smem:$0x3FB4]  }
0x2d: {  	s3 =	simm.s32 $0x108;
	s8 =	sld [smem:$0x3FB5]  }
0x2e: {  	s3 =	simm.s32 @!p0 $0x1082;
	s9 =	sld [smem:$0x3FB6]  }
0x2f: {  	lr =	sadd.s32 s0, s3;
	s0 =	sld [smem:$0x3FAD]  }
0x30: {  	s3 =	sld [smem:$0x3FB0]  }
0x31: {  	[smem:$0x3FB9] =	sst s10  }
0x32: {  	s10 =	sld [smem:$0x3FB7];
	_ =	sdelay $0x3  }
0x33: {  	p0 =	seq.s32 s10, $0x1;
	s10 =	sld [smem:$0x3FB9];
	_ =	sdelay $0x3  }
0x34: {  	[smem:$0x3FB9] =	sst s10  }
0x35: {  	s10 =	sld [smem:$0x3FB8];
	_ =	sdelay $0x3  }
0x36: {  	p1 =	seq.s32 s10, $0x1;
	s10 =	sld [smem:$0x3FB9];
	_ =	sdelay $0x3  }
0x37: {  	[smem:$0x3FB9] =	sst s10  }
0x38: {  	s10 =	sld [smem:$0x3FBA]  }
0x39: {  	_ = 	snop;
	(pc) =	sbr.ind lr, $3  }
0x3a: {  	_ = 	snop  }
0x3b: {  	_ = 	snop  }
0x3c: {  	p2 =	seq.s32 s10, $0x1;
	s10 =	sld [smem:$0x3FB9]  }
0x3d: {  	_ =	shalt  }
0x3e: {  	_ =	shalt  }
0x3f: {  	_ =	shalt  }
0x40: {  	_ =	shalt  }
0x41: {  	_ =	shalt  }
0x42: {  	_ =	shalt  }
0x43: {  	_ =	shalt  }
0x44: {  	_ =	shalt  }
0x45: {  	_ =	shalt  }
0x46: {  	_ =	shalt  }
0x47: {  	_ =	shalt  }
0x48: {  	_ =	shalt  }
0x49: {  	_ =	shalt  }
0x4a: {  	_ =	shalt  }
0x4b: {  	_ =	shalt  }
0x4c: {  	_ =	shalt  }
0x4d: {  	_ =	shalt  }
0x4e: {  	_ =	shalt  }
0x4f: {  	_ =	shalt  }
0x50: {  	_ =	shalt  }
0x51: {  	_ =	shalt  }
0x52: {  	_ =	shalt  }
0x53: {  	_ =	shalt  }
0x54: {  	_ =	shalt  }
0x55: {  	_ =	shalt  }
0x56: {  	_ =	shalt  }
0x57: {  	_ =	shalt  }
0x58: {  	_ =	shalt  }
0x59: {  	_ =	shalt  }
0x5a: {  	_ =	shalt  }
0x5b: {  	_ =	shalt  }
0x5c: {  	_ =	shalt  }
0x5d: {  	_ =	shalt  }
0x5e: {  	_ =	shalt  }
0x5f: {  	_ =	shalt  }
0x60: {  	_ =	shalt  }
0x61: {  	_ =	shalt  }
0x62: {  	_ =	shalt  }
0x63: {  	_ =	shalt  }
0x64: {  	_ =	shalt  }
0x65: {  	_ =	shalt  }
0x66: {  	_ =	shalt  }
0x67: {  	_ =	shalt  }
0x68: {  	_ =	shalt  }
0x69: {  	_ =	shalt  }
0x6a: {  	_ =	shalt  }
0x6b: {  	_ =	shalt  }
0x6c: {  	_ =	shalt  }
0x6d: {  	_ =	shalt  }
0x6e: {  	_ =	shalt  }
0x6f: {  	_ =	shalt  }
0x70: {  	_ =	shalt  }
0x71: {  	_ =	shalt  }
0x72: {  	_ =	shalt  }
0x73: {  	_ =	shalt  }
0x74: {  	_ =	shalt  }
0x75: {  	_ =	shalt  }
0x76: {  	_ =	shalt  }
0x77: {  	_ =	shalt  }
0x78: {  	_ =	shalt  }
0x79: {  	_ =	shalt  }
0x7a: {  	_ =	shalt  }
0x7b: {  	_ =	shalt  }
0x7c: {  	_ =	shalt  }
0x7d: {  	_ =	shalt  }
0x7e: {  	_ =	shalt  }
0x7f: {  	_ =	shalt  }
0x80: {  	_ =	shalt  }
0x81: {  	_ =	shalt  }
0x82: {  	_ =	shalt  }
0x83: {  	_ =	shalt  }
0x84: {  	_ =	shalt  }
0x85: {  	_ =	shalt  }
0x86: {  	_ =	shalt  }
0x87: {  	_ =	shalt  }
.Lfunc_end0:
.L_simem_size_0:
called_computation_lowered:
.L_overlay_start_0:
0x88: {  	s2 =	sld [smem:$0x3FD9]  }
0x89: {  	s3 =	sld [smem:$0x3FFE];
	_ =	sdelay $0x1  }
0x8a: {  	s1 =	srdreg.scid  }
0x8b: {  	s0 =	sand.u32 $0x1, s1  }
0x8c: {  	s17 =	sshll.u32 s0, $0xA;
	s2 =	sadd.s32 s3, s2  }
0x8d: {  	s2 =	sadd.s32 s2, s17  }
0x8e: {  	[smem:$0x3FC5] =	sst s2  }
0x8f: {  	_ = 	snop  }
0x90: {  	s2 =	sld [smem:$0x3FD0];
	(tm) =	ssettm $0x1  }
0x91: {  	s18 =	sld [smem:$0x3FFB];
	_ =	sdelay $0x3  }
0x92: {  	_ =	strace s18  }
0x93: {  	s3 =	sld [smem:$0x3FFC];
	_ =	sdelay $0x3  }
0x94: {  	_ =	strace s3  }
0x95: {  	s3 =	sld [smem:$0x3FFD];
	_ =	sdelay $0x3  }
0x96: {  	_ =	strace s3  }
0x97: {  	_ =	strace $0x8FFFFFFF  }
0x98: {  	s19 =	sld [smem:$0x3FDB];
	_ =	sdelay $0x1  }
0x99: {  	s4 =	simm.s32 $_scs_section_size  }
0x9a: {  	s5 =	simm.s32 $_size__tile_overlayer_lowered;
	s6 =	simm.s32 $_tile_overlayer_lowered  }
0x9b: {  	s22 =	simm.s32 $0x1BFF;
	s21 =	sshll.u32 s6, $0x1;
	s3 =	sadd.s32 s4, s19  }
0x9c: {  	s7 =	simm.s32 $0x0;
	s20 =	sshll.u32 s5, $0x1;
	s5 =	sadd.s32 s21, s3  }
0x9d: {  	[timem:s7], [sflag:s22] =	dma.local [hbm:s5], s20  }
0x9e: {  	_ =	swait.ge [sflag:s22], s20  }
0x9f: {  	s4 =	ssub.s32 $0x0, s20;
	[sflag:s22] =	ssyncset.done $0x0  }
0xa0: {  	[sflag:s22] =	ssyncadd.s32 s4;
	_ =	sdelay $0x1  }
0xa1: {  	s23 =	simm.s32 $0x1B8B  }
0xa2: {  	_ =	swait.ge [sflag:s23], $0x1  }
0xa3: {  	[sflag:s23] =	ssyncset.done $0x0  }
0xa4: {  	s25 =	simm.s32 $0x1B8E;
	s24 =	sld [smem:$0x3FFE];
	[sflag:s23] =	ssyncadd.s32 $0xFFFFFFFF  }
0xa5: {  	s26 =	simm.s32 $execute0_lowered;
	[smem:$0x3FD2] =	sst s25  }
0xa6: {  	s5 =	sshll.u32 s26, $0x1;
	_ =	strace $0x80000046;
	[dreg:$0x1] =	wrdreg $0xFFFFFFFF  }
0xa7: {  	s28 =	simm.s32 $_size_execute0_lowered;
	s3 =	sadd.s32 s3, s5;
	[dreg:$0x0] =	wrdreg $0x0  }
0xa8: {  	s5 =	sshll.u32 s28, $0x1;
	[dreg:$0x2] =	wrdreg s3  }
0xa9: {  	[dreg:$0x3] =	wrdreg s5  }
0xaa: {  	[dreg:$0x4] =	wrdreg $0xC0  }
0xab: {  	_ =	task [dreg:s7], $0x5FFFF  }
0xac: {  	[dreg:$0x1] =	wrdreg $0xFFFFFFFF  }
0xad: {  	[dreg:$0x0] =	wrdreg $0x60  }
0xae: {  	[dreg:$0x2] =	wrdreg s24  }
0xaf: {  	[dreg:$0x3] =	wrdreg s2  }
0xb0: {  	[dreg:$0x4] =	wrdreg $0x9  }
0xb1: {  	_ =	task.clear_ibuf [dreg:s7], $0x5FFFF;
	_ =	strace $0x90000046  }
0xb2: {  	s29 =	simm.s32 $0x9;
	_ =	strace $0x80000048  }
0xb3: {  	_ =	swait.ge [sflag:s29], $0x1  }
0xb4: {  	[sflag:s29] =	ssyncadd.s32 $0xFFFFFFFF  }
0xb5: {  	_ =	strace $0x90000048  }
0xb6: {  	_ =	sfence  }
0xb7: {  	s30 =	sld [smem:$0x0];
	_ =	sdelay $0x2  }
0xb8: {  	s31 =	sshll.u32 s1, $0xD;
	s1 =	sshrl.u32 s1, $0x2  }
0xb9: {  	s3 =	sand.u32 $0x4000, s31;
	s1 =	sadd.s32 s1, s30  }
0xba: {  	s0 =	sor.u32 s3, s0;
	s1 =	sshll.u32 s1, $0x11  }
0xbb: {  	s0 =	sor.u32 s1, s0  }
0xbc: {  	s0 =	sadd.s32 $0x8F2B, s0  }
0xbd: {  	[sflag:s0] =	ssyncadd.remote.s32 $0x1  }
0xbe: {  	_ =	sfence.sel $0xFFFF  }
0xbf: {  	[dreg:$0x0] =	wrdreg $0xFFFFFFFF;
	(pc) =	sbr.abs _section_cstart, $3  }
0xc0: {  	[dreg:$0x1] =	wrdreg $0xFFFFFFFF  }
0xc1: {  	_ =	task.clear_ibuf [dreg:s7], $0x2FFFF;
	_ =	strace $0x9FFFFFFF  }
0xc2: {  	(tm) =	ssettm $0x7FFFFFFF  }
0xc3: {  	_ =	shalt  }
tec
execute0_lowered:
.L_overlay_start_1:
0x0: {  	(tag) =	ssettag $0x1  }
0x1: {  	s1 =	stileid.u32  }
0x2: {  	p0 =	sgt.u32 s1, $0x3  }
.Ltmp0:
0x3: {  	_ = 	snop;
	(pc) =	sbr.rel @p0 .LBB2_8-.Ltmp0, $4  }
0x4: {  	s3 =	rddreg [dreg:$0x0]  }
0x5: {  	s4 =	rddreg [dreg:$0x1];
	s2 =	simm.s32 $0x0  }
0x6: {  	[smem:$0x7FF] =	sst s2  }
0x7: {  	s0 =	rddreg [dreg:$0x2];
	_ =	strace $0x80000047  }
0x8: {  	s5 =	srdreg.scid;
	s6 =	sshll.u32 s1, $0x5;
	s8 =	sadd.s32 $0xE00, s3  }
0x9: {  	s10 =	simm.s32 $0x19000;
	s11 =	simm.s32 $0x19A00;
	s5 =	sand.u32 $0x1, s5  }
.Ltmp1:
0xa: {  	s7 =	sshll.u32 s5, $0x4;
	s5 =	ssub.s32 $0x2, s5;
	(pc) =	sbr.rel .LBB2_2-.Ltmp1, $4  }
0xb: {  	v0 =	vimm.s32 $0x5000;
	vm0 =	vcmask $0x704;
	s12 =	simm.s32 $0x0;
	s6 =	sor.u32 s7, s6;
	s31 =	sshrl.u32 s5, $0x1  }
0xc: {  	vm14 =	vcmask $0xB08;
	v0 =	vsel vm0, $0xA000, v0;
	s9 =	sadd.s32 s6, s3;
	s3 =	sadd.s32 s4, s6;
	s7 =	ssub.s32 s5, s31  }
0xd: {  	vm15 =	vcmask $0xF0C;
	v1 =	vsel vm14, $0xF000, v0;
	s5 =	sadd.s32 s8, s6;
	s8 =	simm.s32 $0x400;
	s4 =	sadd.s32 $0x19E00, s9  }
0xe: {  	v0 =	vimm.f32 $0.0e+00;
	v1 =	vsel vm15, $0x14000, v1;
	s6 =	smax.u32 s7, $0x1;
	s7 =	simm.s32 $0x80;
	s9 =	simm.s32 $0x1  }
.LBB2_7:
0xf: {  	s12 =	sadd.s32 $0x1, s12  }
0x10: {  	p0 =	sne.s32 s12, s6  }
.Ltmp2:
0x11: {  	_ = 	snop;
	(pc) =	sbr.rel @!p0 .LBB2_8-.Ltmp2, $4  }
0x12: {  	[hbm4b:s4+s7] =	stream.strided.scatter [tilespmem:s11], [sflag:$0x1], $0x500, s8, s7, $0x38;
	[tilespmem:$0x19F80] =	vst v63  }
0x13: {  	_ =	swait.ge [sflag:s9], $0x500  }
0x14: {  	[sflag:s9] =	ssyncset.done $0x0  }
0x15: {  	[sflag:s9] =	ssyncadd.s32 $0xFFFFFB00  }
.LBB2_2:
0x16: {  	s13 =	simm.s32 $0x0  }
0x17: {  	[tilespmem:s13], [sflag:$0x1] =	stream.strided.gather [hbm4b:s5+s7], $0x19000, s8, s7, $0x38;
	[tilespmem:$0x19F80] =	vst v63  }
0x18: {  	_ =	swait.ge [sflag:s9], $0x19000  }
0x19: {  	[sflag:s9] =	ssyncset.done $0x0  }
0x1a: {  	[sflag:s9] =	ssyncadd.s32 $0xFFFE7000  }
0x1b: {  	[tilespmem:s10], [sflag:$0x1] =	stream.strided.gather [hbm4b:s3+s7], $0x580, s8, s7, $0x38;
	[tilespmem:$0x19F80] =	vst v63  }
0x1c: {  	_ =	swait.ge [sflag:s9], $0x580  }
0x1d: {  	[sflag:s9] =	ssyncset.done $0x0  }
0x1e: {  	[sflag:s9] =	ssyncadd.s32 $0xFFFFFA80  }
0x1f: {  	[tilespmem:$0x19A00] =	vst v0  }
0x20: {  	[tilespmem:$0x19A10] =	vst v0  }
0x21: {  	[tilespmem:$0x19A20] =	vst v0  }
0x22: {  	[tilespmem:$0x19A30] =	vst v0  }
0x23: {  	[tilespmem:$0x19A40] =	vst v0  }
0x24: {  	[tilespmem:$0x19A50] =	vst v0  }
0x25: {  	[tilespmem:$0x19A60] =	vst v0  }
0x26: {  	[tilespmem:$0x19A70] =	vst v0  }
0x27: {  	[tilespmem:$0x19A80] =	vst v0  }
0x28: {  	[tilespmem:$0x19A90] =	vst v0  }
0x29: {  	[tilespmem:$0x19AA0] =	vst v0  }
0x2a: {  	[tilespmem:$0x19AB0] =	vst v0  }
0x2b: {  	[tilespmem:$0x19AC0] =	vst v0  }
0x2c: {  	[tilespmem:$0x19AD0] =	vst v0  }
0x2d: {  	[tilespmem:$0x19AE0] =	vst v0  }
0x2e: {  	[tilespmem:$0x19AF0] =	vst v0  }
0x2f: {  	[tilespmem:$0x19B00] =	vst v0  }
0x30: {  	[tilespmem:$0x19B10] =	vst v0  }
0x31: {  	[tilespmem:$0x19B20] =	vst v0  }
0x32: {  	[tilespmem:$0x19B30] =	vst v0  }
0x33: {  	[tilespmem:$0x19B40] =	vst v0  }
0x34: {  	[tilespmem:$0x19B50] =	vst v0  }
0x35: {  	[tilespmem:$0x19B60] =	vst v0  }
0x36: {  	[tilespmem:$0x19B70] =	vst v0  }
0x37: {  	[tilespmem:$0x19B80] =	vst v0  }
0x38: {  	[tilespmem:$0x19B90] =	vst v0  }
0x39: {  	[tilespmem:$0x19BA0] =	vst v0  }
0x3a: {  	[tilespmem:$0x19BB0] =	vst v0  }
0x3b: {  	[tilespmem:$0x19BC0] =	vst v0  }
0x3c: {  	[tilespmem:$0x19BD0] =	vst v0  }
0x3d: {  	[tilespmem:$0x19BE0] =	vst v0  }
0x3e: {  	[tilespmem:$0x19BF0] =	vst v0  }
0x3f: {  	[tilespmem:$0x19C00] =	vst v0  }
0x40: {  	[tilespmem:$0x19C10] =	vst v0  }
0x41: {  	[tilespmem:$0x19C20] =	vst v0  }
0x42: {  	[tilespmem:$0x19C30] =	vst v0  }
0x43: {  	[tilespmem:$0x19C40] =	vst v0  }
0x44: {  	[tilespmem:$0x19C50] =	vst v0  }
0x45: {  	[tilespmem:$0x19C60] =	vst v0  }
0x46: {  	[tilespmem:$0x19C70] =	vst v0  }
0x47: {  	[tilespmem:$0x19C80] =	vst v0  }
0x48: {  	[tilespmem:$0x19C90] =	vst v0  }
0x49: {  	[tilespmem:$0x19CA0] =	vst v0  }
0x4a: {  	[tilespmem:$0x19CB0] =	vst v0  }
0x4b: {  	[tilespmem:$0x19CC0] =	vst v0  }
0x4c: {  	[tilespmem:$0x19CD0] =	vst v0  }
0x4d: {  	[tilespmem:$0x19CE0] =	vst v0  }
0x4e: {  	[tilespmem:$0x19CF0] =	vst v0  }
0x4f: {  	[tilespmem:$0x19D00] =	vst v0  }
0x50: {  	[tilespmem:$0x19D10] =	vst v0  }
0x51: {  	[tilespmem:$0x19D20] =	vst v0  }
0x52: {  	[tilespmem:$0x19D30] =	vst v0  }
0x53: {  	[tilespmem:$0x19D40] =	vst v0  }
0x54: {  	[tilespmem:$0x19D50] =	vst v0  }
0x55: {  	[tilespmem:$0x19D60] =	vst v0  }
0x56: {  	[tilespmem:$0x19D70] =	vst v0  }
0x57: {  	[tilespmem:$0x19D80] =	vst v0  }
0x58: {  	[tilespmem:$0x19D90] =	vst v0  }
0x59: {  	[tilespmem:$0x19DA0] =	vst v0  }
0x5a: {  	[tilespmem:$0x19DB0] =	vst v0  }
0x5b: {  	[tilespmem:$0x19DC0] =	vst v0  }
0x5c: {  	[tilespmem:$0x19DD0] =	vst v0  }
0x5d: {  	[tilespmem:$0x19DE0] =	vst v0  }
0x5e: {  	[tilespmem:$0x19DF0] =	vst v0  }
0x5f: {  	[tilespmem:$0x19E00] =	vst v0  }
0x60: {  	[tilespmem:$0x19E10] =	vst v0  }
0x61: {  	[tilespmem:$0x19E20] =	vst v0  }
0x62: {  	[tilespmem:$0x19E30] =	vst v0  }
0x63: {  	[tilespmem:$0x19E40] =	vst v0  }
0x64: {  	[tilespmem:$0x19E50] =	vst v0  }
0x65: {  	[tilespmem:$0x19E60] =	vst v0  }
0x66: {  	[tilespmem:$0x19E70] =	vst v0  }
0x67: {  	[tilespmem:$0x19E80] =	vst v0  }
0x68: {  	[tilespmem:$0x19E90] =	vst v0  }
0x69: {  	[tilespmem:$0x19EA0] =	vst v0  }
0x6a: {  	[tilespmem:$0x19EB0] =	vst v0  }
0x6b: {  	[tilespmem:$0x19EC0] =	vst v0  }
0x6c: {  	[tilespmem:$0x19ED0] =	vst v0  }
0x6d: {  	[tilespmem:$0x19EE0] =	vst v0  }
0x6e: {  	[tilespmem:$0x19EF0] =	vst v0  }
0x6f: {  	[tilespmem:$0x19580] =	vst v0  }
0x70: {  	[tilespmem:$0x19590] =	vst v0  }
0x71: {  	[tilespmem:$0x195A0] =	vst v0  }
0x72: {  	[tilespmem:$0x195B0] =	vst v0  }
0x73: {  	[tilespmem:$0x195C0] =	vst v0  }
0x74: {  	[tilespmem:$0x195D0] =	vst v0  }
0x75: {  	[tilespmem:$0x195E0] =	vst v0  }
0x76: {  	[tilespmem:$0x195F0] =	vst v0  }
0x77: {  	[tilespmem:$0x19600] =	vst v0  }
0x78: {  	[tilespmem:$0x19610] =	vst v0  }
0x79: {  	[tilespmem:$0x19620] =	vst v0  }
0x7a: {  	[tilespmem:$0x19630] =	vst v0  }
0x7b: {  	[tilespmem:$0x19640] =	vst v0  }
0x7c: {  	[tilespmem:$0x19650] =	vst v0  }
0x7d: {  	[tilespmem:$0x19660] =	vst v0  }
0x7e: {  	[tilespmem:$0x19670] =	vst v0  }
0x7f: {  	[tilespmem:$0x19680] =	vst v0  }
0x80: {  	[tilespmem:$0x19690] =	vst v0  }
0x81: {  	[tilespmem:$0x196A0] =	vst v0  }
0x82: {  	[tilespmem:$0x196B0] =	vst v0  }
0x83: {  	[tilespmem:$0x196C0] =	vst v0  }
0x84: {  	[tilespmem:$0x196D0] =	vst v0  }
0x85: {  	[tilespmem:$0x196E0] =	vst v0  }
0x86: {  	[tilespmem:$0x196F0] =	vst v0  }
0x87: {  	[tilespmem:$0x19700] =	vst v0  }
0x88: {  	[tilespmem:$0x19710] =	vst v0  }
0x89: {  	[tilespmem:$0x19720] =	vst v0  }
0x8a: {  	[tilespmem:$0x19730] =	vst v0  }
0x8b: {  	[tilespmem:$0x19740] =	vst v0  }
0x8c: {  	[tilespmem:$0x19750] =	vst v0  }
0x8d: {  	[tilespmem:$0x19760] =	vst v0  }
0x8e: {  	[tilespmem:$0x19770] =	vst v0  }
0x8f: {  	[tilespmem:$0x19780] =	vst v0  }
0x90: {  	[tilespmem:$0x19790] =	vst v0  }
0x91: {  	[tilespmem:$0x197A0] =	vst v0  }
0x92: {  	[tilespmem:$0x197B0] =	vst v0  }
0x93: {  	[tilespmem:$0x197C0] =	vst v0  }
0x94: {  	[tilespmem:$0x197D0] =	vst v0  }
0x95: {  	[tilespmem:$0x197E0] =	vst v0  }
0x96: {  	[tilespmem:$0x197F0] =	vst v0  }
0x97: {  	[tilespmem:$0x19800] =	vst v0  }
0x98: {  	[tilespmem:$0x19810] =	vst v0  }
0x99: {  	[tilespmem:$0x19820] =	vst v0  }
0x9a: {  	[tilespmem:$0x19830] =	vst v0  }
0x9b: {  	[tilespmem:$0x19840] =	vst v0  }
0x9c: {  	[tilespmem:$0x19850] =	vst v0  }
0x9d: {  	[tilespmem:$0x19860] =	vst v0  }
0x9e: {  	[tilespmem:$0x19870] =	vst v0  }
0x9f: {  	[tilespmem:$0x19880] =	vst v0  }
0xa0: {  	[tilespmem:$0x19890] =	vst v0  }
0xa1: {  	[tilespmem:$0x198A0] =	vst v0  }
0xa2: {  	[tilespmem:$0x198B0] =	vst v0  }
0xa3: {  	[tilespmem:$0x198C0] =	vst v0  }
0xa4: {  	[tilespmem:$0x198D0] =	vst v0  }
0xa5: {  	[tilespmem:$0x198E0] =	vst v0  }
0xa6: {  	[tilespmem:$0x198F0] =	vst v0  }
0xa7: {  	[tilespmem:$0x19900] =	vst v0  }
0xa8: {  	[tilespmem:$0x19910] =	vst v0  }
0xa9: {  	[tilespmem:$0x19920] =	vst v0  }
0xaa: {  	[tilespmem:$0x19930] =	vst v0  }
.Ltmp3:
0xab: {  	[tilespmem:$0x19940] =	vst v0;
	(pc) =	sbr.rel .LBB2_3-.Ltmp3, $4  }
0xac: {  	[tilespmem:$0x19950] =	vst v0  }
0xad: {  	[tilespmem:$0x19960] =	vst v0  }
0xae: {  	[tilespmem:$0x19970] =	vst v0  }
0xaf: {  	[tilespmem:$0x19980] =	vst v0  }
.LBB2_5:
0xb0: {  	v10 =	vld [tilespmem:$0x195F0]  }
0xb1: {  	v11 =	vld [tilespmem:$0x196C0]  }
0xb2: {  	v12 =	vld [tilespmem:$0x19790]  }
0xb3: {  	v13 =	vld [tilespmem:$0x19860]  }
0xb4: {  	v14 =	vld [tilespmem:$0x19930]  }
0xb5: {  	v15 =	vld [tilespmem:$0x19600]  }
0xb6: {  	v16 =	vld [tilespmem:$0x196D0]  }
0xb7: {  	v17 =	vld [tilespmem:$0x197A0]  }
0xb8: {  	v18 =	vld [tilespmem:$0x19870]  }
0xb9: {  	v19 =	vld [tilespmem:$0x19940]  }
0xba: {  	v20 =	vld [tilespmem:$0x19610]  }
0xbb: {  	v21 =	vld [tilespmem:$0x196E0]  }
0xbc: {  	v22 =	vld [tilespmem:$0x197B0]  }
0xbd: {  	v23 =	vld [tilespmem:$0x19880]  }
0xbe: {  	p1 =	slt.u32 s13, $0xA1;
	v56 =	vld [tilespmem:$0x19950]  }
0xbf: {  	v24 =	vld @!p1 [tilespmem:$0x196F0];
	v12 =	vmin.f32 v6, v12  }
0xc0: {  	v25 =	vld @!p1 [tilespmem:$0x19890];
	v10 =	vmax.f32 v4, v10;
	v13 =	vmin.f32 v7, v13;
	v11 =	vmax.f32 v5, v11  }
0xc1: {  	v52 =	vmin.f32 v6, v17;
	v17 =	vld @!p1 [tilespmem:$0x197C0];
	v15 =	vmax.f32 v4, v15;
	v18 =	vmin.f32 v7, v18  }
0xc2: {  	v16 =	vmax.f32 v5, v16;
	v14 =	vadd.f32 v14, v8;
	v54 =	vmin.f32 v6, v22;
	v22 =	vld @!p1 [tilespmem:$0x198A0]  }
0xc3: {  	v20 =	vmax.f32 v4, v20;
	v10 =	vsub.f32 v12, v10;
	v12 =	vld @!p1 [tilespmem:$0x19620];
	v11 =	vsub.f32 v13, v11  }
0xc4: {  	v55 =	vmin.f32 v7, v23;
	v23 =	vld @!p1 [tilespmem:$0x19640];
	v13 =	vsub.f32 v52, v15;
	v53 =	vsub.f32 v18, v16  }
0xc5: {  	v21 =	vmax.f32 v5, v21;
	v19 =	vadd.f32 v19, v8;
	v16 =	vld @!p1 [tilespmem:$0x19630];
	v10 =	vmax.f32 v10, $0.0e+00  }
0xc6: {  	v18 =	vld @!p1 [tilespmem:$0x197D0];
	v11 =	vmax.f32 v11, $0.0e+00;
	v13 =	vmax.f32 v13, $0.0e+00;
	v15 =	vmax.f32 v53, $0.0e+00  }
0xc7: {  	v10 =	vmul.f32 v11, v10;
	v11 =	vld @!p1 [tilespmem:$0x19700];
	v13 =	vmul.f32 v15, v13;
	v15 =	vsub.f32 v54, v20  }
0xc8: {  	v20 =	vsub.f32 v55, v21;
	v21 =	vld @!p1 [tilespmem:$0x19710];
	v17 =	vmin.f32 @!p1 v6, v17;
	v12 =	vmax.f32 @!p1 v4, v12  }
0xc9: {  	v24 =	vmax.f32 @!p1 v5, v24;
	v12 =	vsub.f32 @!p1 v17, v12;
	v17 =	vmin.f32 @!p1 v7, v25;
	v25 =	vld @!p1 [tilespmem:$0x197E0]  }
0xca: {  	v57 =	vadd.f32 v56, v8;
	v23 =	vmax.f32 @!p1 v4, v23;
	v17 =	vsub.f32 @!p1 v17, v24;
	v24 =	vld @!p1 [tilespmem:$0x198B0]  }
0xcb: {  	v15 =	vmax.f32 v15, $0.0e+00;
	v20 =	vmax.f32 v20, $0.0e+00;
	v18 =	vmin.f32 @!p1 v6, v18  }
0xcc: {  	v16 =	vmax.f32 @!p1 v4, v16;
	v14 =	vsub.f32 v14, v10;
	v19 =	vsub.f32 v19, v13  }
0xcd: {  	v15 =	vmul.f32 v20, v15;
	v20 =	vmin.f32 @!p1 v7, v22;
	v11 =	vmax.f32 @!p1 v5, v11  }
0xce: {  	v16 =	vsub.f32 @!p1 v18, v16;
	v11 =	vsub.f32 @!p1 v20, v11;
	v20 =	vld @!p1 [tilespmem:$0x19960];
	v22 =	vmin.f32 @!p1 v6, v25  }
0xcf: {  	v21 =	vmax.f32 @!p1 v5, v21;
	v22 =	vsub.f32 @!p1 v22, v23;
	v23 =	vld @!p1 [tilespmem:$0x19970];
	v24 =	vmin.f32 @!p1 v7, v24  }
0xd0: {  	v14 =	vadd.f32 $9.999999960e-13, v14;
	v21 =	vsub.f32 @!p1 v24, v21;
	v24 =	vld @!p1 [tilespmem:$0x19980]  }
0xd1: {  	v58 =	vadd.f32 $9.999999960e-13, v19;
	v12 =	vmax.f32 @!p1 v12, $0.0e+00;
	v16 =	vmax.f32 @!p1 v16, $0.0e+00  }
0xd2: {  	v59 =	vsub.f32 v57, v15;
	v17 =	vmax.f32 @!p1 v17, $0.0e+00;
	v11 =	vmax.f32 @!p1 v11, $0.0e+00  }
0xd3: {  	v12 =	vmul.f32 @!p1 v17, v12;
	v11 =	vmul.f32 @!p1 v11, v16;
	v17 =	vadd.f32 @!p1 v20, v8  }
0xd4: {  	v20 =	vmax.f32 @!p1 v22, $0.0e+00;
	v21 =	vmax.f32 @!p1 v21, $0.0e+00;
	v19 =	vadd.f32 @!p1 v23, v8  }
0xd5: {  	v20 =	vmul.f32 @!p1 v21, v20;
	v17 =	vsub.f32 @!p1 v17, v12;
	v21 =	vadd.f32 @!p1 v24, v8  }
0xd6: {  	(erf) = vrcp.f32 v14;
	v60 =	vadd.f32 $9.999999960e-13, v59;
	v16 =	vsub.f32 @!p1 v19, v11  }
0xd7: {  	(erf) = vrcp.f32 v58;
	v17 =	vadd.f32 @!p1 $9.999999960e-13, v17;
	v18 =	vsub.f32 @!p1 v21, v20  }
0xd8: {  	(erf) = vrcp.f32 v60;
	v14 =	vadd.f32 @!p1 $9.999999960e-13, v16  }
0xd9: {  	(erf) = vrcp.f32 @!p1 v17;
	v16 =	vadd.f32 @!p1 $9.999999960e-13, v18  }
0xda: {  	(erf) = vrcp.f32 @!p1 v14  }
0xdb: {  	(erf) = vrcp.f32 @!p1 v16;
	_ =	sdelay $0x3  }
0xdc: {  	v61 =	vpop (erf)  }
0xdd: {  	v62 =	vpop (erf)  }
0xde: {  	v63 =	vpop (erf)  }
0xdf: {  	v10 =	vmul.f32 v61, v10;
	v18 =	vpop @!p1 (erf)  }
0xe0: {  	v13 =	vmul.f32 v62, v13;
	v15 =	vmul.f32 v63, v15;
	v14 =	vpop @!p1 (erf)  }
0xe1: {  	v12 =	vmul.f32 @!p1 v18, v12;
	v11 =	vmul.f32 @!p1 v14, v11;
	v14 =	vpop @!p1 (erf)  }
0xe2: {  	v10 =	vmax.f32 v10, v13;
	v13 =	vmul.f32 @!p1 v14, v20  }
0xe3: {  	v10 =	vmax.f32 v10, v15;
	v11 =	vmax.f32 @!p1 v12, v11  }
0xe4: {  	v9 =	vmax.f32 v9, v10;
	v10 =	vmax.f32 @!p1 v11, v13  }
0xe5: {  	[tilespmem:$0x19F00] =	vst v9;
	v10 =	vmax.f32 @!p1 v9, v10  }
0xe6: {  	[tilespmem:$0x19F00] =	vst @!p1 v10;
	v9 =	vpsel p1, v9, v10  }
.LBB2_6:
0xe7: {  	(xrf0) =	vmax.scan.msk.f32 $0xffff, v9;
	_ =	sdelay $0x5  }
0xe8: {  	v9, _, _ =	vpop (xrf0)  }
0xe9: {  	(v2sf) =	vpush v9, $0xF;
	_ =	sdelay $0xe  }
0xea: {  	s15 =	spop (v2sf)  }
0xeb: {  	p1 =	sgt.f32 s15, $4.499999880e-01;
	_ =	sdelay $0x1  }
0xec: {  	p1 =	por !p1, !p1  }
0xed: {  	p0 =	por !p0, !p1  }
0xee: {  	p0 =	por !p0, !p0  }
0xef: {  	vm0 =	vcmask @p0 $0x704;
	v9 =	vimm.s32 @p0 $0x0  }
0xf0: {  	v10 =	vsel @p0 vm0, $0xD0, v9;
	v9 =	vsel @p0 vm0, $0x100, v9;
	vm0 =	vcmask @p0 $0xB08  }
0xf1: {  	v10 =	vsel @p0 vm0, $0x1A0, v10;
	v9 =	vsel @p0 vm0, $0x200, v9;
	vm0 =	vcmask @p0 $0xF0C  }
0xf2: {  	s15 =	simm.s32 $0x1;
	v10 =	vsel @p0 vm0, $0x270, v10;
	v9 =	vsel @p0 vm0, $0x300, v9;
	vm0 =	vcmask @p0 $0x1310  }
0xf3: {  	s15 =	simm.s32 @!p0 $0x0;
	v10 =	vsel @p0 vm0, $0x340, v10;
	v9 =	vsel @p0 vm0, $0x400, v9  }
0xf4: {  	v10 =	vadd.s32 @p0 s13, v10;
	v9 =	vor.u32 @p0 s13, v9;
	s13 =	sadd.s32 s15, s13  }
0xf5: {  	p1 =	sgt.u32 s13, $0xC7  }
0xf6: {  	p2 =	sgt.f32 @!p1 s14, $9.999999770e-03;
	_ =	sdelay $0x1  }
0xf7: {  	vm0 =	vcmask @p0 $0x3F10;
	p1 =	por p1, !p2  }
.Ltmp4:
0xf8: {  	v6 =	vsel @p0 vm0, v7, v6;
	vm0 =	vcmask @p0 $0x3F0C;
	(pc) =	sbr.rel @p1 .LBB2_7-.Ltmp4, $4  }
0xf9: {  	vm1 =	vcmask @p0 $0x3F08;
	v5 =	vsel @p0 vm0, v6, v5;
	vm0 =	vmmov @p0 $0xf  }
0xfa: {  	v3 =	vsel @p0 vm0, v3, v8;
	v4 =	vsel @p0 vm1, v5, v4;
	vm0 =	vmmov @p0 $0x1;
	s14 =	simm.s32 @p0 $0x19580  }
0xfb: {  	v2 =	vsel @p0 vm0, v2, v4;
	[tilespmem:v10+s14+$0x0] =	vst.idx.msk @p0 $0x1f, v3;
	s14 =	simm.s32 @p0 $0x19A00  }
0xfc: {  	[tilespmem:v9+s14+$0x0] =	vst.idx.msk @p0 $0x1f, v2  }
.LBB2_3:
0xfd: {  	v3 =	vld [tilespmem:$0x19500]  }
0xfe: {  	v4 =	vld [tilespmem:$0x19510]  }
0xff: {  	v5 =	vld [tilespmem:$0x19520]  }
0x100: {  	v6 =	vld [tilespmem:$0x19530];
	_ =	sdelay $0x1  }
0x101: {  	v7 =	vld [tilespmem:$0x19540];
	_ =	sdelay $0x2  }
0x102: {  	v2 =	vmax.f32 v3, v4;
	v8 =	vmax.f32 v5, v6  }
0x103: {  	v2 =	vmax.f32 v2, v8  }
0x104: {  	v2 =	vmax.f32 v2, v7  }
0x105: {  	(xrf0) =	vmax.scan.msk.f32 $0xffff, v2;
	_ =	sdelay $0x5  }
0x106: {  	v8, _, _ =	vpop (xrf0)  }
0x107: {  	v2 =	vbroadcast v8, $0xF;
	_ =	sdelay $0x1  }
0x108: {  	vm0 =	veq.f32 v3, v2  }
0x109: {  	v3 =	vmctz.xlane vm0  }
0x10a: {  	(v2sf) =	vpush v8, $0xF;
	vm10 =	veq.f32 v4, v2  }
0x10b: {  	(v2sf) =	vpush v3, $0x0;
	v3 =	vmctz.xlane vm10  }
0x10c: {  	vm11 =	veq.f32 v5, v2  }
0x10d: {  	(v2sf) =	vpush v3, $0x0;
	v3 =	vmctz.xlane vm11;
	_ =	sdelay $0x1  }
0x10e: {  	vm12 =	veq.f32 v6, v2;
	(v2sf) =	vpush v3, $0x0  }
0x10f: {  	v3 =	vmctz.xlane vm12  }
0x110: {  	vm13 =	veq.f32 v7, v2  }
0x111: {  	(v2sf) =	vpush v3, $0x0;
	v3 =	vmctz.xlane vm13;
	_ =	sdelay $0x1  }
0x112: {  	(v2sf) =	vpush v3, $0x0;
	_ =	sdelay $0x4  }
0x113: {  	s14 =	spop (v2sf)  }
0x114: {  	s15 =	spop (v2sf)  }
0x115: {  	p1 =	slt.s32 s15, $0x270F  }
0x116: {  	p0 =	slt.s32 s15, $0x10;
	s16 =	spop (v2sf);
	s15 =	simm.s32 @!p1 $0x270F  }
0x117: {  	s15 =	simm.s32 @!p0 $0x270F;
	s17 =	sadd.s32 $0x10, s16  }
0x118: {  	p0 =	slt.s32 s16, $0x10;
	s18 =	spop (v2sf);
	p1 =	slt.s32 s15, s17  }
0x119: {  	s17 =	smov.u32 @p1 s15;
	p1 =	slt.s32 s18, $0x10;
	s16 =	sadd.s32 $0x20, s18  }
0x11a: {  	s15 =	smov.u32 @p0 s17;
	s16 =	simm.s32 @!p1 $0x270F  }
0x11b: {  	s28 =	spop (v2sf);
	p0 =	slt.s32 s15, s16  }
0x11c: {  	s16 =	smov.u32 @p0 s15;
	p0 =	slt.s32 s28, $0x10;
	s15 =	sadd.s32 $0x30, s28  }
0x11d: {  	s29 =	spop (v2sf);
	s15 =	simm.s32 @!p0 $0x270F  }
0x11e: {  	p1 =	slt.s32 s29, $0x10;
	s17 =	sadd.s32 $0x40, s29;
	p0 =	slt.s32 s16, s15  }
0x11f: {  	s17 =	simm.s32 @!p1 $0x270F;
	s15 =	smov.u32 @p0 s16  }
0x120: {  	p0 =	slt.s32 s15, s17  }
0x121: {  	s17 =	smov.u32 @p0 s15  }
0x122: {  	s15 =	sshll.u32 s17, $0x4  }
0x123: {  	v3 =	vld [tilespmem:s15+$0x19000];
	_ =	sdelay $0x4  }
0x124: {  	vm14 =	veq.f32 v3, v2  }
0x125: {  	v4 =	vmctz.xlane vm14;
	_ =	sdelay $0x1  }
0x126: {  	(v2sf) =	vpush v4, $0x0;
	_ =	sdelay $0xe  }
0x127: {  	s16 =	spop (v2sf)  }
0x128: {  	s30 =	sshll.u32 s17, $0x8;
	s19 =	sshll.u32 s16, $0x4  }
0x129: {  	s18 =	sadd.s32 s19, s30  }
0x12a: {  	s19 =	sand.u32 $0x70, s19;
	s20 =	sand.u32 $0xFFFFFF80, s18  }
0x12b: {  	s19 =	sor.u32 s19, s20  }
0x12c: {  	v5 =	vld [tilespmem:s19+$0x0];
	_ =	sdelay $0x4  }
0x12d: {  	vm15 =	veq.f32 v5, v2  }
0x12e: {  	v6 =	vmctz.xlane vm15  }
0x12f: {  	p0 =	sgt.f32 s14, $9.999999770e-03  }
0x130: {  	(v2sf) =	vpush v6, $0x0  }
0x131: {  	v6 =	vbroadcast @p0 v6, $0x0  }
0x132: {  	v7 =	vlaneseq.u32 @p0  }
0x133: {  	vm0 =	veq.s32 @p0 v6, v7  }
0x134: {  	v5 =	vsel @p0 vm0, $0xF149F2CA, v5  }
0x135: {  	(xrf0) =	vmax.scan.msk.f32 @p0 $0xffff, v5;
	_ =	sdelay $0x5  }
0x136: {  	v4 =	vbroadcast @p0 v4, $0x0;
	v5, _, _ =	vpop @p0 (xrf0)  }
0x137: {  	v5 =	vbroadcast @p0 v5, $0xF  }
0x138: {  	vm0 =	veq.s32 @p0 v4, v7  }
0x139: {  	v3 =	vsel @p0 vm0, v5, v3  }
0x13a: {  	(xrf0) =	vmax.scan.msk.f32 @p0 $0xffff, v3;
	s31 =	spop (v2sf)  }
0x13b: {  	s18 =	sadd.s32 s31, s18  }
0x13c: {  	s15 =	sadd.s32 @p0 s16, s15;
	v3 =	vadd.s32 s18, v1;
	v4 =	vmov s18  }
0x13d: {  	v6 =	vmov @p0 s15;
	s15 =	sadd.s32 @p0 $0x500, s17  }
0x13e: {  	v7 =	vmov @p0 s15;
	_ =	sdelay $0x1  }
0x13f: {  	v8 =	vimm.f32 @p0 $-1.000000020e+30;
	s15 =	simm.s32 @p0 $0x0;
	v9, _, _ =	vpop @p0 (xrf0)  }
0x140: {  	v3 =	vld.idx.msk [tilespmem:v3+s2+$0x0], $0xf;
	[tilespmem:v4+s15+$0x0] =	vst.idx.msk @p0 $0x1, v8;
	s15 =	simm.s32 @p0 $0x19000;
	v4 =	vbroadcast @p0 v9, $0xF  }
0x141: {  	[tilespmem:v6+s15+$0x0] =	vst.idx.msk @p0 $0x1, v5  }
0x142: {  	[tilespmem:v7+s15+$0x0] =	vst.idx.msk @p0 $0x1, v4  }
0x143: {  	v8 =	vld [tilespmem:$0x19580]  }
0x144: {  	v9 =	vld [tilespmem:$0x19650]  }
0x145: {  	v10 =	vld [tilespmem:$0x19720]  }
0x146: {  	v11 =	vld [tilespmem:$0x197F0]  }
0x147: {  	v12 =	vld [tilespmem:$0x198C0]  }
0x148: {  	v13 =	vld [tilespmem:$0x19590]  }
0x149: {  	v14 =	vld [tilespmem:$0x19660]  }
0x14a: {  	v15 =	vld [tilespmem:$0x19730]  }
0x14b: {  	v17 =	vld [tilespmem:$0x19800]  }
0x14c: {  	v20 =	vld [tilespmem:$0x195A0]  }
0x14d: {  	v21 =	vld [tilespmem:$0x19670];
	v4 =	vbroadcast v3, $0x0;
	v6 =	vbroadcast v3, $0x2  }
0x14e: {  	v46 =	vld [tilespmem:$0x19810];
	v5 =	vbroadcast v3, $0x1;
	v7 =	vbroadcast v3, $0x3  }
0x14f: {  	v23 =	vld [tilespmem:$0x19750]  }
0x150: {  	v18 =	vld [tilespmem:$0x198D0];
	v16 =	vsub.f32 v6, v4;
	v19 =	vsub.f32 v7, v5;
	v10 =	vmin.f32 v6, v10  }
0x151: {  	v24 =	vld [tilespmem:$0x19820];
	v8 =	vmax.f32 v4, v8;
	v11 =	vmin.f32 v7, v11;
	v9 =	vmax.f32 v5, v9  }
0x152: {  	v47 =	vld [tilespmem:$0x198E0];
	v15 =	vmin.f32 v6, v15;
	v13 =	vmax.f32 v4, v13;
	v49 =	vmin.f32 v7, v17  }
0x153: {  	v48 =	vld [tilespmem:$0x195B0];
	v14 =	vmax.f32 v5, v14;
	v50 =	vmax.f32 v4, v20;
	v51 =	vmin.f32 v7, v46  }
0x154: {  	p1 =	slt.u32 s13, $0x41;
	v22 =	vld [tilespmem:$0x19680];
	v52 =	vmax.f32 v5, v21;
	v54 =	vmin.f32 v6, v23;
	v16 =	vmax.f32 v16, $0.0e+00  }
0x155: {  	v21 =	vld @!p1 [tilespmem:$0x19830];
	v19 =	vmax.f32 v19, $0.0e+00;
	v10 =	vsub.f32 v10, v8;
	v9 =	vsub.f32 v11, v9  }
0x156: {  	v55 =	vmin.f32 v7, v24;
	v11 =	vld [tilespmem:$0x19740];
	v13 =	vsub.f32 v15, v13;
	v8 =	vmul.f32 v19, v16  }
0x157: {  	v17 =	vld @!p1 [tilespmem:$0x19690];
	v14 =	vsub.f32 v49, v14;
	v10 =	vmax.f32 v10, $0.0e+00;
	v9 =	vmax.f32 v9, $0.0e+00  }
0x158: {  	v20 =	vld @!p1 [tilespmem:$0x19760];
	v15 =	vsub.f32 v51, v52;
	v9 =	vmul.f32 v9, v10;
	v10 =	vadd.f32 v12, v8  }
0x159: {  	v25 =	vld @!p1 [tilespmem:$0x195C0];
	v22 =	vmax.f32 v5, v22;
	v13 =	vmax.f32 v13, $0.0e+00;
	v14 =	vmax.f32 v14, $0.0e+00  }
0x15a: {  	v23 =	vld @!p1 [tilespmem:$0x19840];
	v15 =	vmax.f32 v15, $0.0e+00;
	v53 =	vadd.f32 v18, v8;
	v10 =	vsub.f32 v10, v9  }
0x15b: {  	v16 =	vld @!p1 [tilespmem:$0x195D0];
	v12 =	vmax.f32 v4, v48;
	v21 =	vmin.f32 @!p1 v7, v21;
	v11 =	vmin.f32 v6, v11  }
0x15c: {  	v18 =	vld @!p1 [tilespmem:$0x19770];
	v17 =	vmax.f32 @!p1 v5, v17;
	v11 =	vsub.f32 v11, v50;
	v10 =	vadd.f32 $9.999999960e-13, v10  }
0x15d: {  	v12 =	vsub.f32 v54, v12;
	v20 =	vmin.f32 @!p1 v6, v20;
	v17 =	vsub.f32 @!p1 v21, v17;
	v21 =	vld @!p1 [tilespmem:$0x19850]  }
0x15e: {  	v24 =	vld @!p1 [tilespmem:$0x195E0];
	v11 =	vmax.f32 v11, $0.0e+00;
	(erf) = vrcp.f32 v10;
	v10 =	vmul.f32 v14, v13  }
0x15f: {  	v13 =	vld @!p1 [tilespmem:$0x196A0];
	v11 =	vmul.f32 v15, v11;
	v15 =	vsub.f32 v55, v22;
	v22 =	vmax.f32 @!p1 v4, v25  }
0x160: {  	v20 =	vsub.f32 @!p1 v20, v22;
	v22 =	vld @!p1 [tilespmem:$0x19780]  }
0x161: {  	v19 =	vadd.f32 v47, v8;
	v12 =	vmax.f32 v12, $0.0e+00;
	v16 =	vmax.f32 @!p1 v4, v16;
	v25 =	vld @!p1 [tilespmem:$0x196B0]  }
0x162: {  	v56 =	vld [tilespmem:$0x198F0];
	v17 =	vmax.f32 @!p1 v17, $0.0e+00;
	v18 =	vmin.f32 @!p1 v6, v18;
	v21 =	vmin.f32 @!p1 v7, v21  }
0x163: {  	v15 =	vmax.f32 v15, $0.0e+00;
	v14 =	vsub.f32 v53, v10;
	v57 =	vsub.f32 v19, v11  }
0x164: {  	v19 =	vmin.f32 @!p1 v7, v23;
	v23 =	vmax.f32 @!p1 v4, v24;
	v13 =	vmax.f32 @!p1 v5, v13  }
0x165: {  	v12 =	vmul.f32 v15, v12;
	v13 =	vsub.f32 @!p1 v19, v13;
	v19 =	vld @!p1 [tilespmem:$0x19900];
	v22 =	vmin.f32 @!p1 v6, v22  }
0x166: {  	v15 =	vsub.f32 @!p1 v18, v16;
	v24 =	vmax.f32 @!p1 v5, v25;
	v22 =	vsub.f32 @!p1 v22, v23;
	v23 =	vld @!p1 [tilespmem:$0x19910]  }
0x167: {  	v20 =	vmax.f32 @!p1 v20, $0.0e+00;
	v16 =	vadd.f32 v56, v8;
	v21 =	vsub.f32 @!p1 v21, v24;
	v24 =	vld @!p1 [tilespmem:$0x19920]  }
0x168: {  	v17 =	vmul.f32 @!p1 v17, v20;
	v14 =	vadd.f32 $9.999999960e-13, v14  }
0x169: {  	v18 =	vadd.f32 $9.999999960e-13, v57;
	v15 =	vmax.f32 @!p1 v15, $0.0e+00;
	v58 =	vsub.f32 v16, v12  }
0x16a: {  	v13 =	vmax.f32 @!p1 v13, $0.0e+00;
	v21 =	vmax.f32 @!p1 v21, $0.0e+00;
	v16 =	vadd.f32 @!p1 v19, v8  }
0x16b: {  	v13 =	vmul.f32 @!p1 v13, v15;
	v20 =	vmax.f32 @!p1 v22, $0.0e+00;
	v19 =	vadd.f32 @!p1 v23, v8  }
0x16c: {  	v20 =	vmul.f32 @!p1 v21, v20;
	v21 =	vadd.f32 @!p1 v24, v8;
	v16 =	vsub.f32 @!p1 v16, v17  }
0x16d: {  	(erf) = vrcp.f32 v14;
	v59 =	vadd.f32 $9.999999960e-13, v58;
	v15 =	vsub.f32 @!p1 v19, v13  }
0x16e: {  	(erf) = vrcp.f32 v18;
	v18 =	vsub.f32 @!p1 v21, v20;
	v16 =	vadd.f32 @!p1 $9.999999960e-13, v16  }
0x16f: {  	(erf) = vrcp.f32 v59;
	v14 =	vadd.f32 @!p1 $9.999999960e-13, v15  }
0x170: {  	v15 =	vadd.f32 @!p1 $9.999999960e-13, v18;
	(erf) = vrcp.f32 @!p1 v16  }
0x171: {  	(erf) = vrcp.f32 @!p1 v14  }
0x172: {  	(erf) = vrcp.f32 @!p1 v15;
	_ =	sdelay $0x2  }
0x173: {  	v60 =	vpop (erf)  }
0x174: {  	v61 =	vpop (erf)  }
0x175: {  	v62 =	vpop (erf)  }
0x176: {  	v63 =	vpop (erf)  }
0x177: {  	v9 =	vmul.f32 v60, v9;
	v10 =	vmul.f32 v61, v10;
	v19 =	vpop @!p1 (erf)  }
0x178: {  	p2 =	slt.u32 @!p1 s13, $0x71;
	v11 =	vmul.f32 v62, v11;
	v12 =	vmul.f32 v63, v12;
	v14 =	vpop @!p1 (erf)  }
0x179: {  	p2 =	por p1, p2;
	v15 =	vmul.f32 @!p1 v19, v17;
	v13 =	vmul.f32 @!p1 v14, v13;
	v14 =	vpop @!p1 (erf)  }
.Ltmp5:
0x17a: {  	v14 =	vmul.f32 @!p1 v14, v20;
	(pc) =	sbr.rel @!p2 .LBB2_5-.Ltmp5, $4  }
0x17b: {  	v9 =	vmax.f32 v9, v10;
	v10 =	vmax.f32 v11, v12;
	v11 =	vmax.f32 @!p1 v15, v13  }
0x17c: {  	v10 =	vmax.f32 v9, v10;
	v9 =	vmax.f32 @!p1 v11, v14  }
0x17d: {  	[tilespmem:$0x19F00] =	vst v10;
	v9 =	vmax.f32 @!p1 v10, v9  }
0x17e: {  	[tilespmem:$0x19F00] =	vst @!p1 v9  }
.Ltmp6:
0x17f: {  	(pc) =	sbr.rel .LBB2_6-.Ltmp6, $2  }
0x180: {  	_ =	sdelay $0x2  }
0x181: {  	v9 =	vpsel p1, v10, v9  }
.LBB2_8:
0x182: {  	_ =	sfence.sel $0x180000  }
0x183: {  	[bflag:$0x0] =	sbarrier.arrive $0xFFFF  }
0x184: {  	p0 =	sne.s32 s1, $0x0;
	_ =	strace $0x90000047  }
0x185: {  	s0 =	sadd.s32 @!p0 $0x100000, s0;
	[bflag:$0x2] =	sbarrier.arrive $0xFFFF  }
0x186: {  	[sflag:s0] =	ssyncadd.tile.s32 @!p0 $0x1;
	_ =	shalt  }
.Lfunc_end2:
_tile_overlayer_lowered:
.L_overlay_start_2:
0x187: {  	(tag) =	ssettag $0x2  }
0x188: {  	s0 =	rddreg [dreg:$0x0];
	s2 =	stileid.u32  }
0x189: {  	s1 =	rddreg [dreg:$0x1];
	p0 =	sne.s32 s2, $0x0  }
0x18a: {  	s3 =	rddreg [dreg:$0x2];
	[bflag:$0x3] =	sbarrier.arrive $0xFFFF;
	s2 =	simm.s32 @!p0 $0x1C01  }
0x18b: {  	[timem:s3], [sflag:s2] =	dma.local @!p0 [hbm:s0], s1  }
0x18c: {  	s0 =	simm.s32 @!p0 $0x1  }
0x18d: {  	_ =	swait.ge @!p0 [sflag:s0], s1  }
0x18e: {  	s1 =	ssub.s32 @!p0 $0x0, s1;
	[sflag:s0] =	ssyncset.done @!p0 $0x0  }
0x18f: {  	[sflag:s0] =	ssyncadd.s32 @!p0 s1  }
0x190: {  	[bflag:$0x3] =	sbarrier.arrive $0xFFFF  }
0x191: {  	_ =	shalt  }

</sc_bundles>
